<compile_context>
chip_gen: v7x
topology: tpu7x:2x2x1
jax: 0.10.2.dev20260603
libtpu: 0.0.44.dev20260713+nightly
codegen_flags: <defaults>
</compile_context>

<pallas_src>
import functools

import jax
import jax.numpy as jnp
from jax import lax
from jax.experimental import pallas as pl
from jax.experimental.pallas import tpu as pltpu
from jax.experimental.pallas import tpu_sc as plsc

_D = 64
_G = 128
_U = 4
_NBUF = 2
_P = 8192
_PB = _P.bit_length() - 1

_info = plsc.get_sparse_core_info()
_NC = _info.num_cores
_NS = _info.num_subcores
_NW = _NC * _NS


def _ttab_body(in_ref, out_ref):
    out_ref[:, :_D] = in_ref[:, :_P].T
    out_ref[:, _D:] = in_ref[:, _P:].T


def _tc_transpose_table(t_t):
    v = t_t.shape[1]
    n_blk = pl.cdiv(v, 2 * _P)
    return pl.pallas_call(
        _ttab_body,
        grid=(n_blk,),
        in_specs=[pl.BlockSpec((_D, 2 * _P), lambda i: (0, i))],
        out_specs=pl.BlockSpec((_P, 2 * _D), lambda i: (i, 0)),
        out_shape=jax.ShapeDtypeStruct((n_blk * _P, 2 * _D), jnp.float32),
        compiler_params=pltpu.CompilerParams(
            dimension_semantics=("parallel",),
        ),
    )(t_t)


_SB = 8


def _tout_body(in_ref, out_ref):
    h = in_ref.shape[0] // _SB
    for i in range(_SB):
        blk = in_ref[pl.ds(i * h, h), :]
        out_ref[i, :, :h] = blk[:, :_D].T
        out_ref[i, :, h:] = blk[:, _D:].T


def _tc_untranspose_out(flat128, s, b):
    h = b // 2
    return pl.pallas_call(
        _tout_body,
        grid=(s // _SB,),
        in_specs=[pl.BlockSpec((_SB * h, 2 * _D), lambda i: (i, 0))],
        out_specs=pl.BlockSpec((_SB, _D, b), lambda i: (i, 0, 0)),
        out_shape=jax.ShapeDtypeStruct((s, _D, b), jnp.float32),
        compiler_params=pltpu.CompilerParams(
            dimension_semantics=("parallel",),
            vmem_limit_bytes=100 * 1024 * 1024,
        ),
    )(flat128)


def _make_gather(n_rows: int):
    rows_per_w = n_rows // _NW
    n_chunks = rows_per_w // _U
    assert n_chunks % _NBUF == 0
    mesh = plsc.VectorSubcoreMesh(core_axis_name="c", subcore_axis_name="s")

    chunk = _U * _G

    @functools.partial(
        pl.kernel,
        mesh=mesh,
        out_type=jax.ShapeDtypeStruct((n_rows * _G // 2, 2 * _D), jnp.float32),
        scratch_types=[
            pltpu.VMEM((rows_per_w, _G), jnp.int32),
            pltpu.VMEM((_NBUF, _U * _G, _D), jnp.float32),
            pltpu.SemaphoreType.DMA((_NBUF,)),
            pltpu.SemaphoreType.DMA((_NBUF,)),
        ],
        compiler_params=pltpu.CompilerParams(use_tc_tiling_on_sc=False),
    )
    def k(table_hbm, idx_hbm, out_hbm, idx_v, rows_v, gsem, osem):
        wid = lax.axis_index("s") * _NC + lax.axis_index("c")
        w_row0 = wid * rows_per_w

        def fire_gathers(c, buf):
            for j in range(_U):
                pltpu.async_copy(
                    table_hbm.at[idx_v.at[c * _U + j]],
                    rows_v.at[buf, pl.ds(j * _G, _G)],
                    gsem.at[buf],
                )

        def drain_gathers(buf):
            for j in range(_U):
                pltpu.make_async_copy(
                    table_hbm.at[idx_v.at[0]],
                    rows_v.at[buf, pl.ds(j * _G, _G)],
                    gsem.at[buf],
                ).wait()

        def fire_write(c, buf):
            t0 = (w_row0 + c * _U) * _G
            r0 = ((t0 >> 12) << 11) + (t0 & 2047)
            col0 = ((t0 & 4095) >> 11) * _D
            pltpu.async_copy(
                rows_v.at[buf],
                out_hbm.at[pl.ds(r0, chunk), pl.ds(col0, _D)],
                osem.at[buf],
            )

        def drain_write(buf):
            pltpu.make_async_copy(
                rows_v.at[buf],
                out_hbm.at[pl.ds(0, chunk), pl.ds(0, _D)],
                osem.at[buf],
            ).wait()

        pltpu.sync_copy(idx_hbm.at[pl.ds(w_row0, rows_per_w)], idx_v)
        fire_gathers(0, 0)

        @pl.loop(0, n_chunks, step=_NBUF)
        def trip(g):
            @pl.when(g > 0)
            def _():
                drain_write(1)
            fire_gathers(g + 1, 1)
            drain_gathers(0)
            fire_write(g, 0)

            @pl.when(g < n_chunks - _NBUF)
            def _():
                drain_write(0)
                fire_gathers(g + 2, 0)
            drain_gathers(1)
            fire_write(g + 1, 1)

        drain_write(0)
        drain_write(1)

    return k


def kernel(x, table):
    b, s = x.shape
    h = b // 2
    x_t = jnp.transpose(x)
    t_t = jnp.transpose(table)

    table128 = _tc_transpose_table(t_t)
    table_rm = table128.reshape(-1, _D)

    blk = x_t >> (_PB + 1)
    u = x_t & (2 * _P - 1)
    xg = (blk << (_PB + 1)) + ((u & (_P - 1)) << 1) + (u >> _PB)

    x2d = xg.reshape(-1, _G)
    flat128 = _make_gather(x2d.shape[0])(table_rm, x2d)
    out_t = _tc_untranspose_out(flat128, s, b)
    return jnp.transpose(out_t, (2, 0, 1))

# --- scband reference (transcript-rebuilt; emitter-appended) ---
"""Pipeline reference for scband-token-embedding-26396869001250 (READ-ONLY COPY).

The authoritative reference and input builder live on the scoring server;
editing this copy changes nothing except your own understanding.
"""

import jax, jax.numpy as jnp
import numpy as np

VOCAB = 1000000
EMBED = 64

def setup_inputs(seed: int = 0) -> dict:
    key = jax.random.key(seed)
    k1, k2 = jax.random.split(key)
    x = jax.random.randint(k1, (4096, 200), 0, VOCAB, dtype=jnp.int64 if jax.config.jax_enable_x64 else jnp.int32)
    table = jax.random.normal(k2, (VOCAB, EMBED), dtype=jnp.float32)
    return {"x": x, "table": table}

def reference(x, table):
    # torch.nn.Embedding forward: row gather from the embedding table
    return jnp.take(table, x, axis=0)

if __name__ == "__main__":
    import jax
    _d = setup_inputs()
    print(jax.jit(kernel)(*tuple(_d.values())))

</pallas_src>

<mosaic_0001>
#map = affine_map<(d0, d1) -> (0, 0)>
module attributes {stable_mosaic.version = 14 : i64} {
  func.func @k(%arg0: i32, %arg1: i32, %arg2: memref<1015808x64xf32, #tpu.memory_space<hbm>>, %arg3: memref<6400x128xi32, #tpu.memory_space<hbm>>, %arg4: memref<409600x128xf32, #tpu.memory_space<hbm>>, %arg5: memref<200x128xi32, #tpu.memory_space<vmem>>, %arg6: memref<2x512x64xf32, #tpu.memory_space<vmem>>, %arg7: memref<2x!tpu.dma_semaphore, #tpu.memory_space<semaphore_mem>>, %arg8: memref<2x!tpu.dma_semaphore, #tpu.memory_space<semaphore_mem>>) attributes {dimension_semantics = [#tpu.dimension_semantics<core_parallel>, #tpu.dimension_semantics<subcore_parallel>], iteration_bounds = array<i64: 2, 16>, scalar_prefetch = 0 : i64, scratch_operands = 4 : i64, tpu.core_type = #tpu.core_type<sc_vector_subcore>, window_params = [{transform_indices = #map}, {transform_indices = #map}, {transform_indices = #map}]} {
    %mul3A = arith.constant 2 : i32
    %mul3A_0 = arith.muli %arg1, %mul3A : i32
    %add3A = arith.addi %mul3A_0, %arg0 : i32
    %mul3A_1 = arith.constant 200 : i32
    %mul3A_2 = arith.muli %add3A, %mul3A_1 : i32
    "tpu.region"() ({
      %run_scoped3A = tpu.sem_alloc : memref<!tpu.dma_semaphore, #tpu.memory_space<semaphore_mem>>
      %dma_start3A_101 = arith.constant 0 : i32
      %dma_start3A_102 = tpu.memref_slice %arg3[%mul3A_2, %dma_start3A_101] : memref<6400x128xi32, #tpu.memory_space<hbm>> -> memref<200x128xi32, #tpu.memory_space<hbm>>
      %dma_start3A_103 = arith.constant 0 : i32
      %dma_start3A_104 = tpu.memref_slice %arg3[%mul3A_2, %dma_start3A_103] : memref<6400x128xi32, #tpu.memory_space<hbm>> -> memref<200x128xi32, #tpu.memory_space<hbm>>
      tpu.enqueue_dma source(%dma_start3A_104 : memref<200x128xi32, #tpu.memory_space<hbm>>) target(%arg5 : memref<200x128xi32, #tpu.memory_space<vmem>>) target_semaphore(%run_scoped3A : memref<!tpu.dma_semaphore, #tpu.memory_space<semaphore_mem>>)
      %dma_wait3A_105 = arith.constant 0 : i32
      %dma_wait3A_106 = tpu.memref_slice %arg3[%mul3A_2, %dma_wait3A_105] : memref<6400x128xi32, #tpu.memory_space<hbm>> -> memref<200x128xi32, #tpu.memory_space<hbm>>
      %dma_wait3A_107 = arith.constant 0 : i32
      %dma_wait3A_108 = tpu.memref_slice %arg3[%mul3A_2, %dma_wait3A_107] : memref<6400x128xi32, #tpu.memory_space<hbm>> -> memref<200x128xi32, #tpu.memory_space<hbm>>
      tpu.wait_dma2 semaphore(%run_scoped3A : memref<!tpu.dma_semaphore, #tpu.memory_space<semaphore_mem>>) src(%dma_wait3A_108 : memref<200x128xi32, #tpu.memory_space<hbm>>) dst(%arg5 : memref<200x128xi32, #tpu.memory_space<vmem>>)
      tpu.yield
    }) : () -> ()
    %dma_start3A = arith.constant 0 : i32
    %dma_start3A_3 = arith.constant 0 : i32
    %dma_start3A_4 = arith.constant 0 : i32
    %dma_start3A_5 = arith.constant 0 : i32
    %dma_start3A_6 = arith.constant 0 : i32
    %dma_start3A_7 = tpu.memref_slice %arg6[%dma_start3A_3, %dma_start3A_5, %dma_start3A_6] : memref<2x512x64xf32, #tpu.memory_space<vmem>> -> memref<1x128x64xf32, #tpu.memory_space<vmem>>
    %dma_start3A_8 = tpu.memref_squeeze %dma_start3A_7 : memref<1x128x64xf32, #tpu.memory_space<vmem>> -> memref<128x64xf32, #tpu.memory_space<vmem>>
    %dma_start3A_9 = arith.constant 0 : i32
    %dma_start3A_10 = tpu.memref_slice %arg5[%dma_start3A, %dma_start3A_9] : memref<200x128xi32, #tpu.memory_space<vmem>> -> memref<1x128xi32, #tpu.memory_space<vmem>>
    %dma_start3A_11 = tpu.memref_squeeze %dma_start3A_10 : memref<1x128xi32, #tpu.memory_space<vmem>> -> memref<128xi32, #tpu.memory_space<vmem>>
    %dma_start3A_12 = arith.constant 0 : i32
    %dma_start3A_13 = arith.constant 0 : i32
    %dma_start3A_14 = tpu.memref_slice %arg2[%dma_start3A_12, %dma_start3A_13] : memref<1015808x64xf32, #tpu.memory_space<hbm>> -> memref<1015808x64xf32, #tpu.memory_space<hbm>>
    %dma_start3A_15 = tpu.memref_slice %arg7[%dma_start3A_4] : memref<2x!tpu.dma_semaphore, #tpu.memory_space<semaphore_mem>> -> memref<1x!tpu.dma_semaphore, #tpu.memory_space<semaphore_mem>>
    %dma_start3A_16 = tpu.memref_squeeze %dma_start3A_15 : memref<1x!tpu.dma_semaphore, #tpu.memory_space<semaphore_mem>> -> memref<!tpu.dma_semaphore, #tpu.memory_space<semaphore_mem>>
    tpu.enqueue_indirect_dma source(%dma_start3A_14 : memref<1015808x64xf32, #tpu.memory_space<hbm>>) target(%dma_start3A_8 : memref<128x64xf32, #tpu.memory_space<vmem>>) offsets(%dma_start3A_11 : memref<128xi32, #tpu.memory_space<vmem>>) semaphore(%dma_start3A_16 : memref<!tpu.dma_semaphore, #tpu.memory_space<semaphore_mem>>)
    %dma_start3A_17 = arith.constant 1 : i32
    %dma_start3A_18 = arith.constant 0 : i32
    %dma_start3A_19 = arith.constant 0 : i32
    %dma_start3A_20 = arith.constant 128 : i32
    %dma_start3A_21 = arith.constant 0 : i32
    %dma_start3A_22 = tpu.memref_slice %arg6[%dma_start3A_18, %dma_start3A_20, %dma_start3A_21] : memref<2x512x64xf32, #tpu.memory_space<vmem>> -> memref<1x128x64xf32, #tpu.memory_space<vmem>>
    %dma_start3A_23 = tpu.memref_squeeze %dma_start3A_22 : memref<1x128x64xf32, #tpu.memory_space<vmem>> -> memref<128x64xf32, #tpu.memory_space<vmem>>
    %dma_start3A_24 = arith.constant 0 : i32
    %dma_start3A_25 = tpu.memref_slice %arg5[%dma_start3A_17, %dma_start3A_24] : memref<200x128xi32, #tpu.memory_space<vmem>> -> memref<1x128xi32, #tpu.memory_space<vmem>>
    %dma_start3A_26 = tpu.memref_squeeze %dma_start3A_25 : memref<1x128xi32, #tpu.memory_space<vmem>> -> memref<128xi32, #tpu.memory_space<vmem>>
    %dma_start3A_27 = arith.constant 0 : i32
    %dma_start3A_28 = arith.constant 0 : i32
    %dma_start3A_29 = tpu.memref_slice %arg2[%dma_start3A_27, %dma_start3A_28] : memref<1015808x64xf32, #tpu.memory_space<hbm>> -> memref<1015808x64xf32, #tpu.memory_space<hbm>>
    %dma_start3A_30 = tpu.memref_slice %arg7[%dma_start3A_19] : memref<2x!tpu.dma_semaphore, #tpu.memory_space<semaphore_mem>> -> memref<1x!tpu.dma_semaphore, #tpu.memory_space<semaphore_mem>>
    %dma_start3A_31 = tpu.memref_squeeze %dma_start3A_30 : memref<1x!tpu.dma_semaphore, #tpu.memory_space<semaphore_mem>> -> memref<!tpu.dma_semaphore, #tpu.memory_space<semaphore_mem>>
    tpu.enqueue_indirect_dma source(%dma_start3A_29 : memref<1015808x64xf32, #tpu.memory_space<hbm>>) target(%dma_start3A_23 : memref<128x64xf32, #tpu.memory_space<vmem>>) offsets(%dma_start3A_26 : memref<128xi32, #tpu.memory_space<vmem>>) semaphore(%dma_start3A_31 : memref<!tpu.dma_semaphore, #tpu.memory_space<semaphore_mem>>)
    %dma_start3A_32 = arith.constant 2 : i32
    %dma_start3A_33 = arith.constant 0 : i32
    %dma_start3A_34 = arith.constant 0 : i32
    %dma_start3A_35 = arith.constant 256 : i32
    %dma_start3A_36 = arith.constant 0 : i32
    %dma_start3A_37 = tpu.memref_slice %arg6[%dma_start3A_33, %dma_start3A_35, %dma_start3A_36] : memref<2x512x64xf32, #tpu.memory_space<vmem>> -> memref<1x128x64xf32, #tpu.memory_space<vmem>>
    %dma_start3A_38 = tpu.memref_squeeze %dma_start3A_37 : memref<1x128x64xf32, #tpu.memory_space<vmem>> -> memref<128x64xf32, #tpu.memory_space<vmem>>
    %dma_start3A_39 = arith.constant 0 : i32
    %dma_start3A_40 = tpu.memref_slice %arg5[%dma_start3A_32, %dma_start3A_39] : memref<200x128xi32, #tpu.memory_space<vmem>> -> memref<1x128xi32, #tpu.memory_space<vmem>>
    %dma_start3A_41 = tpu.memref_squeeze %dma_start3A_40 : memref<1x128xi32, #tpu.memory_space<vmem>> -> memref<128xi32, #tpu.memory_space<vmem>>
    %dma_start3A_42 = arith.constant 0 : i32
    %dma_start3A_43 = arith.constant 0 : i32
    %dma_start3A_44 = tpu.memref_slice %arg2[%dma_start3A_42, %dma_start3A_43] : memref<1015808x64xf32, #tpu.memory_space<hbm>> -> memref<1015808x64xf32, #tpu.memory_space<hbm>>
    %dma_start3A_45 = tpu.memref_slice %arg7[%dma_start3A_34] : memref<2x!tpu.dma_semaphore, #tpu.memory_space<semaphore_mem>> -> memref<1x!tpu.dma_semaphore, #tpu.memory_space<semaphore_mem>>
    %dma_start3A_46 = tpu.memref_squeeze %dma_start3A_45 : memref<1x!tpu.dma_semaphore, #tpu.memory_space<semaphore_mem>> -> memref<!tpu.dma_semaphore, #tpu.memory_space<semaphore_mem>>
    tpu.enqueue_indirect_dma source(%dma_start3A_44 : memref<1015808x64xf32, #tpu.memory_space<hbm>>) target(%dma_start3A_38 : memref<128x64xf32, #tpu.memory_space<vmem>>) offsets(%dma_start3A_41 : memref<128xi32, #tpu.memory_space<vmem>>) semaphore(%dma_start3A_46 : memref<!tpu.dma_semaphore, #tpu.memory_space<semaphore_mem>>)
    %dma_start3A_47 = arith.constant 3 : i32
    %dma_start3A_48 = arith.constant 0 : i32
    %dma_start3A_49 = arith.constant 0 : i32
    %dma_start3A_50 = arith.constant 384 : i32
    %dma_start3A_51 = arith.constant 0 : i32
    %dma_start3A_52 = tpu.memref_slice %arg6[%dma_start3A_48, %dma_start3A_50, %dma_start3A_51] : memref<2x512x64xf32, #tpu.memory_space<vmem>> -> memref<1x128x64xf32, #tpu.memory_space<vmem>>
    %dma_start3A_53 = tpu.memref_squeeze %dma_start3A_52 : memref<1x128x64xf32, #tpu.memory_space<vmem>> -> memref<128x64xf32, #tpu.memory_space<vmem>>
    %dma_start3A_54 = arith.constant 0 : i32
    %dma_start3A_55 = tpu.memref_slice %arg5[%dma_start3A_47, %dma_start3A_54] : memref<200x128xi32, #tpu.memory_space<vmem>> -> memref<1x128xi32, #tpu.memory_space<vmem>>
    %dma_start3A_56 = tpu.memref_squeeze %dma_start3A_55 : memref<1x128xi32, #tpu.memory_space<vmem>> -> memref<128xi32, #tpu.memory_space<vmem>>
    %dma_start3A_57 = arith.constant 0 : i32
    %dma_start3A_58 = arith.constant 0 : i32
    %dma_start3A_59 = tpu.memref_slice %arg2[%dma_start3A_57, %dma_start3A_58] : memref<1015808x64xf32, #tpu.memory_space<hbm>> -> memref<1015808x64xf32, #tpu.memory_space<hbm>>
    %dma_start3A_60 = tpu.memref_slice %arg7[%dma_start3A_49] : memref<2x!tpu.dma_semaphore, #tpu.memory_space<semaphore_mem>> -> memref<1x!tpu.dma_semaphore, #tpu.memory_space<semaphore_mem>>
    %dma_start3A_61 = tpu.memref_squeeze %dma_start3A_60 : memref<1x!tpu.dma_semaphore, #tpu.memory_space<semaphore_mem>> -> memref<!tpu.dma_semaphore, #tpu.memory_space<semaphore_mem>>
    tpu.enqueue_indirect_dma source(%dma_start3A_59 : memref<1015808x64xf32, #tpu.memory_space<hbm>>) target(%dma_start3A_53 : memref<128x64xf32, #tpu.memory_space<vmem>>) offsets(%dma_start3A_56 : memref<128xi32, #tpu.memory_space<vmem>>) semaphore(%dma_start3A_61 : memref<!tpu.dma_semaphore, #tpu.memory_space<semaphore_mem>>)
    %scan3A = arith.constant 0 : i32
    %scan3A_62 = arith.constant 25 : i32
    %scan3A_63 = arith.addi %scan3A, %scan3A_62 : i32
    %scan3A_64 = arith.constant 1 : i32
    scf.for %scan3A_101 = %scan3A to %scan3A_63 step %scan3A_64  : i32 {
      %mul3A_102 = arith.constant 2 : i32
      %mul3A_103 = arith.muli %scan3A_101, %mul3A_102 : i32
      %add3A_104 = arith.constant 0 : i32
      %add3A_105 = arith.addi %add3A_104, %mul3A_103 : i32
      %gt3A = arith.constant 0 : i32
      %gt3A_106 = arith.cmpi sgt, %add3A_105, %gt3A : i32
      %convert_element_type3A = arith.extui %gt3A_106 : i1 to i32
      %cond3A = arith.constant 0 : i32
      %cond3A_107 = arith.cmpi ne, %convert_element_type3A, %cond3A : i32
      scf.if %cond3A_107 {
        %dma_wait3A_369 = arith.constant 1 : i32
        %dma_wait3A_370 = arith.constant 1 : i32
        %dma_wait3A_371 = arith.constant 0 : i32
        %dma_wait3A_372 = arith.constant 0 : i32
        %dma_wait3A_373 = tpu.memref_slice %arg6[%dma_wait3A_369, %dma_wait3A_371, %dma_wait3A_372] : memref<2x512x64xf32, #tpu.memory_space<vmem>> -> memref<1x512x64xf32, #tpu.memory_space<vmem>>
        %dma_wait3A_374 = tpu.memref_squeeze %dma_wait3A_373 : memref<1x512x64xf32, #tpu.memory_space<vmem>> -> memref<512x64xf32, #tpu.memory_space<vmem>>
        %dma_wait3A_375 = arith.constant 0 : i32
        %dma_wait3A_376 = arith.constant 0 : i32
        %dma_wait3A_377 = tpu.memref_slice %arg4[%dma_wait3A_375, %dma_wait3A_376] : memref<409600x128xf32, #tpu.memory_space<hbm>> -> memref<512x64xf32, #tpu.memory_space<hbm>>
        %dma_wait3A_378 = tpu.memref_slice %arg8[%dma_wait3A_370] : memref<2x!tpu.dma_semaphore, #tpu.memory_space<semaphore_mem>> -> memref<1x!tpu.dma_semaphore, #tpu.memory_space<semaphore_mem>>
        %dma_wait3A_379 = tpu.memref_squeeze %dma_wait3A_378 : memref<1x!tpu.dma_semaphore, #tpu.memory_space<semaphore_mem>> -> memref<!tpu.dma_semaphore, #tpu.memory_space<semaphore_mem>>
        %dma_wait3A_380 = arith.constant 0 : i32
        %dma_wait3A_381 = arith.constant 0 : i32
        %dma_wait3A_382 = tpu.memref_slice %arg4[%dma_wait3A_380, %dma_wait3A_381] : memref<409600x128xf32, #tpu.memory_space<hbm>> -> memref<512x64xf32, #tpu.memory_space<hbm>>
        %dma_wait3A_383 = arith.constant 0 : i32
        %dma_wait3A_384 = arith.constant 0 : i32
        %dma_wait3A_385 = tpu.memref_slice %arg6[%dma_wait3A_369, %dma_wait3A_383, %dma_wait3A_384] : memref<2x512x64xf32, #tpu.memory_space<vmem>> -> memref<1x512x64xf32, #tpu.memory_space<vmem>>
        %dma_wait3A_386 = tpu.memref_squeeze %dma_wait3A_385 : memref<1x512x64xf32, #tpu.memory_space<vmem>> -> memref<512x64xf32, #tpu.memory_space<vmem>>
        tpu.wait_dma2 semaphore(%dma_wait3A_379 : memref<!tpu.dma_semaphore, #tpu.memory_space<semaphore_mem>>) src(%dma_wait3A_386 : memref<512x64xf32, #tpu.memory_space<vmem>>) dst(%dma_wait3A_382 : memref<512x64xf32, #tpu.memory_space<hbm>>)
      } else {
      }
      %add3A_108 = arith.constant 1 : i32
      %add3A_109 = arith.addi %add3A_105, %add3A_108 : i32
      %mul3A_110 = arith.constant 4 : i32
      %mul3A_111 = arith.muli %add3A_109, %mul3A_110 : i32
      %add3A_112 = arith.constant 0 : i32
      %add3A_113 = arith.addi %mul3A_111, %add3A_112 : i32
      %dma_start3A_114 = arith.constant 1 : i32
      %dma_start3A_115 = arith.constant 1 : i32
      %dma_start3A_116 = arith.constant 0 : i32
      %dma_start3A_117 = arith.constant 0 : i32
      %dma_start3A_118 = tpu.memref_slice %arg6[%dma_start3A_114, %dma_start3A_116, %dma_start3A_117] : memref<2x512x64xf32, #tpu.memory_space<vmem>> -> memref<1x128x64xf32, #tpu.memory_space<vmem>>
      %dma_start3A_119 = tpu.memref_squeeze %dma_start3A_118 : memref<1x128x64xf32, #tpu.memory_space<vmem>> -> memref<128x64xf32, #tpu.memory_space<vmem>>
      %dma_start3A_120 = arith.constant 0 : i32
      %dma_start3A_121 = tpu.memref_slice %arg5[%add3A_113, %dma_start3A_120] : memref<200x128xi32, #tpu.memory_space<vmem>> -> memref<1x128xi32, #tpu.memory_space<vmem>>
      %dma_start3A_122 = tpu.memref_squeeze %dma_start3A_121 : memref<1x128xi32, #tpu.memory_space<vmem>> -> memref<128xi32, #tpu.memory_space<vmem>>
      %dma_start3A_123 = arith.constant 0 : i32
      %dma_start3A_124 = arith.constant 0 : i32
      %dma_start3A_125 = tpu.memref_slice %arg2[%dma_start3A_123, %dma_start3A_124] : memref<1015808x64xf32, #tpu.memory_space<hbm>> -> memref<1015808x64xf32, #tpu.memory_space<hbm>>
      %dma_start3A_126 = tpu.memref_slice %arg7[%dma_start3A_115] : memref<2x!tpu.dma_semaphore, #tpu.memory_space<semaphore_mem>> -> memref<1x!tpu.dma_semaphore, #tpu.memory_space<semaphore_mem>>
      %dma_start3A_127 = tpu.memref_squeeze %dma_start3A_126 : memref<1x!tpu.dma_semaphore, #tpu.memory_space<semaphore_mem>> -> memref<!tpu.dma_semaphore, #tpu.memory_space<semaphore_mem>>
      tpu.enqueue_indirect_dma source(%dma_start3A_125 : memref<1015808x64xf32, #tpu.memory_space<hbm>>) target(%dma_start3A_119 : memref<128x64xf32, #tpu.memory_space<vmem>>) offsets(%dma_start3A_122 : memref<128xi32, #tpu.memory_space<vmem>>) semaphore(%dma_start3A_127 : memref<!tpu.dma_semaphore, #tpu.memory_space<semaphore_mem>>)
      %mul3A_128 = arith.constant 4 : i32
      %mul3A_129 = arith.muli %add3A_109, %mul3A_128 : i32
      %add3A_130 = arith.constant 1 : i32
      %add3A_131 = arith.addi %mul3A_129, %add3A_130 : i32
      %dma_start3A_132 = arith.constant 1 : i32
      %dma_start3A_133 = arith.constant 1 : i32
      %dma_start3A_134 = arith.constant 128 : i32
      %dma_start3A_135 = arith.constant 0 : i32
      %dma_start3A_136 = tpu.memref_slice %arg6[%dma_start3A_132, %dma_start3A_134, %dma_start3A_135] : memref<2x512x64xf32, #tpu.memory_space<vmem>> -> memref<1x128x64xf32, #tpu.memory_space<vmem>>
      %dma_start3A_137 = tpu.memref_squeeze %dma_start3A_136 : memref<1x128x64xf32, #tpu.memory_space<vmem>> -> memref<128x64xf32, #tpu.memory_space<vmem>>
      %dma_start3A_138 = arith.constant 0 : i32
      %dma_start3A_139 = tpu.memref_slice %arg5[%add3A_131, %dma_start3A_138] : memref<200x128xi32, #tpu.memory_space<vmem>> -> memref<1x128xi32, #tpu.memory_space<vmem>>
      %dma_start3A_140 = tpu.memref_squeeze %dma_start3A_139 : memref<1x128xi32, #tpu.memory_space<vmem>> -> memref<128xi32, #tpu.memory_space<vmem>>
      %dma_start3A_141 = arith.constant 0 : i32
      %dma_start3A_142 = arith.constant 0 : i32
      %dma_start3A_143 = tpu.memref_slice %arg2[%dma_start3A_141, %dma_start3A_142] : memref<1015808x64xf32, #tpu.memory_space<hbm>> -> memref<1015808x64xf32, #tpu.memory_space<hbm>>
      %dma_start3A_144 = tpu.memref_slice %arg7[%dma_start3A_133] : memref<2x!tpu.dma_semaphore, #tpu.memory_space<semaphore_mem>> -> memref<1x!tpu.dma_semaphore, #tpu.memory_space<semaphore_mem>>
      %dma_start3A_145 = tpu.memref_squeeze %dma_start3A_144 : memref<1x!tpu.dma_semaphore, #tpu.memory_space<semaphore_mem>> -> memref<!tpu.dma_semaphore, #tpu.memory_space<semaphore_mem>>
      tpu.enqueue_indirect_dma source(%dma_start3A_143 : memref<1015808x64xf32, #tpu.memory_space<hbm>>) target(%dma_start3A_137 : memref<128x64xf32, #tpu.memory_space<vmem>>) offsets(%dma_start3A_140 : memref<128xi32, #tpu.memory_space<vmem>>) semaphore(%dma_start3A_145 : memref<!tpu.dma_semaphore, #tpu.memory_space<semaphore_mem>>)
      %mul3A_146 = arith.constant 4 : i32
      %mul3A_147 = arith.muli %add3A_109, %mul3A_146 : i32
      %add3A_148 = arith.constant 2 : i32
      %add3A_149 = arith.addi %mul3A_147, %add3A_148 : i32
      %dma_start3A_150 = arith.constant 1 : i32
      %dma_start3A_151 = arith.constant 1 : i32
      %dma_start3A_152 = arith.constant 256 : i32
      %dma_start3A_153 = arith.constant 0 : i32
      %dma_start3A_154 = tpu.memref_slice %arg6[%dma_start3A_150, %dma_start3A_152, %dma_start3A_153] : memref<2x512x64xf32, #tpu.memory_space<vmem>> -> memref<1x128x64xf32, #tpu.memory_space<vmem>>
      %dma_start3A_155 = tpu.memref_squeeze %dma_start3A_154 : memref<1x128x64xf32, #tpu.memory_space<vmem>> -> memref<128x64xf32, #tpu.memory_space<vmem>>
      %dma_start3A_156 = arith.constant 0 : i32
      %dma_start3A_157 = tpu.memref_slice %arg5[%add3A_149, %dma_start3A_156] : memref<200x128xi32, #tpu.memory_space<vmem>> -> memref<1x128xi32, #tpu.memory_space<vmem>>
      %dma_start3A_158 = tpu.memref_squeeze %dma_start3A_157 : memref<1x128xi32, #tpu.memory_space<vmem>> -> memref<128xi32, #tpu.memory_space<vmem>>
      %dma_start3A_159 = arith.constant 0 : i32
      %dma_start3A_160 = arith.constant 0 : i32
      %dma_start3A_161 = tpu.memref_slice %arg2[%dma_start3A_159, %dma_start3A_160] : memref<1015808x64xf32, #tpu.memory_space<hbm>> -> memref<1015808x64xf32, #tpu.memory_space<hbm>>
      %dma_start3A_162 = tpu.memref_slice %arg7[%dma_start3A_151] : memref<2x!tpu.dma_semaphore, #tpu.memory_space<semaphore_mem>> -> memref<1x!tpu.dma_semaphore, #tpu.memory_space<semaphore_mem>>
      %dma_start3A_163 = tpu.memref_squeeze %dma_start3A_162 : memref<1x!tpu.dma_semaphore, #tpu.memory_space<semaphore_mem>> -> memref<!tpu.dma_semaphore, #tpu.memory_space<semaphore_mem>>
      tpu.enqueue_indirect_dma source(%dma_start3A_161 : memref<1015808x64xf32, #tpu.memory_space<hbm>>) target(%dma_start3A_155 : memref<128x64xf32, #tpu.memory_space<vmem>>) offsets(%dma_start3A_158 : memref<128xi32, #tpu.memory_space<vmem>>) semaphore(%dma_start3A_163 : memref<!tpu.dma_semaphore, #tpu.memory_space<semaphore_mem>>)
      %mul3A_164 = arith.constant 4 : i32
      %mul3A_165 = arith.muli %add3A_109, %mul3A_164 : i32
      %add3A_166 = arith.constant 3 : i32
      %add3A_167 = arith.addi %mul3A_165, %add3A_166 : i32
      %dma_start3A_168 = arith.constant 1 : i32
      %dma_start3A_169 = arith.constant 1 : i32
      %dma_start3A_170 = arith.constant 384 : i32
      %dma_start3A_171 = arith.constant 0 : i32
      %dma_start3A_172 = tpu.memref_slice %arg6[%dma_start3A_168, %dma_start3A_170, %dma_start3A_171] : memref<2x512x64xf32, #tpu.memory_space<vmem>> -> memref<1x128x64xf32, #tpu.memory_space<vmem>>
      %dma_start3A_173 = tpu.memref_squeeze %dma_start3A_172 : memref<1x128x64xf32, #tpu.memory_space<vmem>> -> memref<128x64xf32, #tpu.memory_space<vmem>>
      %dma_start3A_174 = arith.constant 0 : i32
      %dma_start3A_175 = tpu.memref_slice %arg5[%add3A_167, %dma_start3A_174] : memref<200x128xi32, #tpu.memory_space<vmem>> -> memref<1x128xi32, #tpu.memory_space<vmem>>
      %dma_start3A_176 = tpu.memref_squeeze %dma_start3A_175 : memref<1x128xi32, #tpu.memory_space<vmem>> -> memref<128xi32, #tpu.memory_space<vmem>>
      %dma_start3A_177 = arith.constant 0 : i32
      %dma_start3A_178 = arith.constant 0 : i32
      %dma_start3A_179 = tpu.memref_slice %arg2[%dma_start3A_177, %dma_start3A_178] : memref<1015808x64xf32, #tpu.memory_space<hbm>> -> memref<1015808x64xf32, #tpu.memory_space<hbm>>
      %dma_start3A_180 = tpu.memref_slice %arg7[%dma_start3A_169] : memref<2x!tpu.dma_semaphore, #tpu.memory_space<semaphore_mem>> -> memref<1x!tpu.dma_semaphore, #tpu.memory_space<semaphore_mem>>
      %dma_start3A_181 = tpu.memref_squeeze %dma_start3A_180 : memref<1x!tpu.dma_semaphore, #tpu.memory_space<semaphore_mem>> -> memref<!tpu.dma_semaphore, #tpu.memory_space<semaphore_mem>>
      tpu.enqueue_indirect_dma source(%dma_start3A_179 : memref<1015808x64xf32, #tpu.memory_space<hbm>>) target(%dma_start3A_173 : memref<128x64xf32, #tpu.memory_space<vmem>>) offsets(%dma_start3A_176 : memref<128xi32, #tpu.memory_space<vmem>>) semaphore(%dma_start3A_181 : memref<!tpu.dma_semaphore, #tpu.memory_space<semaphore_mem>>)
      %dma_wait3A_182 = arith.constant 0 : i32
      %dma_wait3A_183 = arith.constant 0 : i32
      %dma_wait3A_184 = arith.constant 0 : i32
      %dma_wait3A_185 = arith.constant 0 : i32
      %dma_wait3A_186 = arith.constant 0 : i32
      %dma_wait3A_187 = tpu.memref_slice %arg6[%dma_wait3A_183, %dma_wait3A_185, %dma_wait3A_186] : memref<2x512x64xf32, #tpu.memory_space<vmem>> -> memref<1x128x64xf32, #tpu.memory_space<vmem>>
      %dma_wait3A_188 = tpu.memref_squeeze %dma_wait3A_187 : memref<1x128x64xf32, #tpu.memory_space<vmem>> -> memref<128x64xf32, #tpu.memory_space<vmem>>
      %dma_wait3A_189 = arith.constant 0 : i32
      %dma_wait3A_190 = tpu.memref_slice %arg5[%dma_wait3A_182, %dma_wait3A_189] : memref<200x128xi32, #tpu.memory_space<vmem>> -> memref<1x128xi32, #tpu.memory_space<vmem>>
      %dma_wait3A_191 = tpu.memref_squeeze %dma_wait3A_190 : memref<1x128xi32, #tpu.memory_space<vmem>> -> memref<128xi32, #tpu.memory_space<vmem>>
      %dma_wait3A_192 = arith.constant 0 : i32
      %dma_wait3A_193 = arith.constant 0 : i32
      %dma_wait3A_194 = tpu.memref_slice %arg2[%dma_wait3A_192, %dma_wait3A_193] : memref<1015808x64xf32, #tpu.memory_space<hbm>> -> memref<1015808x64xf32, #tpu.memory_space<hbm>>
      %dma_wait3A_195 = tpu.memref_slice %arg7[%dma_wait3A_184] : memref<2x!tpu.dma_semaphore, #tpu.memory_space<semaphore_mem>> -> memref<1x!tpu.dma_semaphore, #tpu.memory_space<semaphore_mem>>
      %dma_wait3A_196 = tpu.memref_squeeze %dma_wait3A_195 : memref<1x!tpu.dma_semaphore, #tpu.memory_space<semaphore_mem>> -> memref<!tpu.dma_semaphore, #tpu.memory_space<semaphore_mem>>
      tpu.wait_indirect_dma semaphore(%dma_wait3A_196 : memref<!tpu.dma_semaphore, #tpu.memory_space<semaphore_mem>>) src(%dma_wait3A_194 : memref<1015808x64xf32, #tpu.memory_space<hbm>>) dst(%dma_wait3A_188 : memref<128x64xf32, #tpu.memory_space<vmem>>)
      %dma_wait3A_197 = arith.constant 0 : i32
      %dma_wait3A_198 = arith.constant 0 : i32
      %dma_wait3A_199 = arith.constant 0 : i32
      %dma_wait3A_200 = arith.constant 128 : i32
      %dma_wait3A_201 = arith.constant 0 : i32
      %dma_wait3A_202 = tpu.memref_slice %arg6[%dma_wait3A_198, %dma_wait3A_200, %dma_wait3A_201] : memref<2x512x64xf32, #tpu.memory_space<vmem>> -> memref<1x128x64xf32, #tpu.memory_space<vmem>>
      %dma_wait3A_203 = tpu.memref_squeeze %dma_wait3A_202 : memref<1x128x64xf32, #tpu.memory_space<vmem>> -> memref<128x64xf32, #tpu.memory_space<vmem>>
      %dma_wait3A_204 = arith.constant 0 : i32
      %dma_wait3A_205 = tpu.memref_slice %arg5[%dma_wait3A_197, %dma_wait3A_204] : memref<200x128xi32, #tpu.memory_space<vmem>> -> memref<1x128xi32, #tpu.memory_space<vmem>>
      %dma_wait3A_206 = tpu.memref_squeeze %dma_wait3A_205 : memref<1x128xi32, #tpu.memory_space<vmem>> -> memref<128xi32, #tpu.memory_space<vmem>>
      %dma_wait3A_207 = arith.constant 0 : i32
      %dma_wait3A_208 = arith.constant 0 : i32
      %dma_wait3A_209 = tpu.memref_slice %arg2[%dma_wait3A_207, %dma_wait3A_208] : memref<1015808x64xf32, #tpu.memory_space<hbm>> -> memref<1015808x64xf32, #tpu.memory_space<hbm>>
      %dma_wait3A_210 = tpu.memref_slice %arg7[%dma_wait3A_199] : memref<2x!tpu.dma_semaphore, #tpu.memory_space<semaphore_mem>> -> memref<1x!tpu.dma_semaphore, #tpu.memory_space<semaphore_mem>>
      %dma_wait3A_211 = tpu.memref_squeeze %dma_wait3A_210 : memref<1x!tpu.dma_semaphore, #tpu.memory_space<semaphore_mem>> -> memref<!tpu.dma_semaphore, #tpu.memory_space<semaphore_mem>>
      tpu.wait_indirect_dma semaphore(%dma_wait3A_211 : memref<!tpu.dma_semaphore, #tpu.memory_space<semaphore_mem>>) src(%dma_wait3A_209 : memref<1015808x64xf32, #tpu.memory_space<hbm>>) dst(%dma_wait3A_203 : memref<128x64xf32, #tpu.memory_space<vmem>>)
      %dma_wait3A_212 = arith.constant 0 : i32
      %dma_wait3A_213 = arith.constant 0 : i32
      %dma_wait3A_214 = arith.constant 0 : i32
      %dma_wait3A_215 = arith.constant 256 : i32
      %dma_wait3A_216 = arith.constant 0 : i32
      %dma_wait3A_217 = tpu.memref_slice %arg6[%dma_wait3A_213, %dma_wait3A_215, %dma_wait3A_216] : memref<2x512x64xf32, #tpu.memory_space<vmem>> -> memref<1x128x64xf32, #tpu.memory_space<vmem>>
      %dma_wait3A_218 = tpu.memref_squeeze %dma_wait3A_217 : memref<1x128x64xf32, #tpu.memory_space<vmem>> -> memref<128x64xf32, #tpu.memory_space<vmem>>
      %dma_wait3A_219 = arith.constant 0 : i32
      %dma_wait3A_220 = tpu.memref_slice %arg5[%dma_wait3A_212, %dma_wait3A_219] : memref<200x128xi32, #tpu.memory_space<vmem>> -> memref<1x128xi32, #tpu.memory_space<vmem>>
      %dma_wait3A_221 = tpu.memref_squeeze %dma_wait3A_220 : memref<1x128xi32, #tpu.memory_space<vmem>> -> memref<128xi32, #tpu.memory_space<vmem>>
      %dma_wait3A_222 = arith.constant 0 : i32
      %dma_wait3A_223 = arith.constant 0 : i32
      %dma_wait3A_224 = tpu.memref_slice %arg2[%dma_wait3A_222, %dma_wait3A_223] : memref<1015808x64xf32, #tpu.memory_space<hbm>> -> memref<1015808x64xf32, #tpu.memory_space<hbm>>
      %dma_wait3A_225 = tpu.memref_slice %arg7[%dma_wait3A_214] : memref<2x!tpu.dma_semaphore, #tpu.memory_space<semaphore_mem>> -> memref<1x!tpu.dma_semaphore, #tpu.memory_space<semaphore_mem>>
      %dma_wait3A_226 = tpu.memref_squeeze %dma_wait3A_225 : memref<1x!tpu.dma_semaphore, #tpu.memory_space<semaphore_mem>> -> memref<!tpu.dma_semaphore, #tpu.memory_space<semaphore_mem>>
      tpu.wait_indirect_dma semaphore(%dma_wait3A_226 : memref<!tpu.dma_semaphore, #tpu.memory_space<semaphore_mem>>) src(%dma_wait3A_224 : memref<1015808x64xf32, #tpu.memory_space<hbm>>) dst(%dma_wait3A_218 : memref<128x64xf32, #tpu.memory_space<vmem>>)
      %dma_wait3A_227 = arith.constant 0 : i32
      %dma_wait3A_228 = arith.constant 0 : i32
      %dma_wait3A_229 = arith.constant 0 : i32
      %dma_wait3A_230 = arith.constant 384 : i32
      %dma_wait3A_231 = arith.constant 0 : i32
      %dma_wait3A_232 = tpu.memref_slice %arg6[%dma_wait3A_228, %dma_wait3A_230, %dma_wait3A_231] : memref<2x512x64xf32, #tpu.memory_space<vmem>> -> memref<1x128x64xf32, #tpu.memory_space<vmem>>
      %dma_wait3A_233 = tpu.memref_squeeze %dma_wait3A_232 : memref<1x128x64xf32, #tpu.memory_space<vmem>> -> memref<128x64xf32, #tpu.memory_space<vmem>>
      %dma_wait3A_234 = arith.constant 0 : i32
      %dma_wait3A_235 = tpu.memref_slice %arg5[%dma_wait3A_227, %dma_wait3A_234] : memref<200x128xi32, #tpu.memory_space<vmem>> -> memref<1x128xi32, #tpu.memory_space<vmem>>
      %dma_wait3A_236 = tpu.memref_squeeze %dma_wait3A_235 : memref<1x128xi32, #tpu.memory_space<vmem>> -> memref<128xi32, #tpu.memory_space<vmem>>
      %dma_wait3A_237 = arith.constant 0 : i32
      %dma_wait3A_238 = arith.constant 0 : i32
      %dma_wait3A_239 = tpu.memref_slice %arg2[%dma_wait3A_237, %dma_wait3A_238] : memref<1015808x64xf32, #tpu.memory_space<hbm>> -> memref<1015808x64xf32, #tpu.memory_space<hbm>>
      %dma_wait3A_240 = tpu.memref_slice %arg7[%dma_wait3A_229] : memref<2x!tpu.dma_semaphore, #tpu.memory_space<semaphore_mem>> -> memref<1x!tpu.dma_semaphore, #tpu.memory_space<semaphore_mem>>
      %dma_wait3A_241 = tpu.memref_squeeze %dma_wait3A_240 : memref<1x!tpu.dma_semaphore, #tpu.memory_space<semaphore_mem>> -> memref<!tpu.dma_semaphore, #tpu.memory_space<semaphore_mem>>
      tpu.wait_indirect_dma semaphore(%dma_wait3A_241 : memref<!tpu.dma_semaphore, #tpu.memory_space<semaphore_mem>>) src(%dma_wait3A_239 : memref<1015808x64xf32, #tpu.memory_space<hbm>>) dst(%dma_wait3A_233 : memref<128x64xf32, #tpu.memory_space<vmem>>)
      %mul3A_242 = arith.constant 4 : i32
      %mul3A_243 = arith.muli %add3A_105, %mul3A_242 : i32
      %add3A_244 = arith.addi %mul3A_2, %mul3A_243 : i32
      %mul3A_245 = arith.constant 128 : i32
      %mul3A_246 = arith.muli %add3A_244, %mul3A_245 : i32
      %shift_right_arithmetic3A = arith.constant 12 : i32
      %shift_right_arithmetic3A_247 = arith.shrsi %mul3A_246, %shift_right_arithmetic3A : i32
      %shift_left3A = arith.constant 11 : i32
      %shift_left3A_248 = arith.shli %shift_right_arithmetic3A_247, %shift_left3A : i32
      %and3A = arith.constant 2047 : i32
      %and3A_249 = arith.andi %mul3A_246, %and3A : i32
      %add3A_250 = arith.addi %shift_left3A_248, %and3A_249 : i32
      %and3A_251 = arith.constant 4095 : i32
      %and3A_252 = arith.andi %mul3A_246, %and3A_251 : i32
      %shift_right_arithmetic3A_253 = arith.constant 11 : i32
      %shift_right_arithmetic3A_254 = arith.shrsi %and3A_252, %shift_right_arithmetic3A_253 : i32
      %mul3A_255 = arith.constant 64 : i32
      %mul3A_256 = arith.muli %shift_right_arithmetic3A_254, %mul3A_255 : i32
      %dma_start3A_257 = arith.constant 0 : i32
      %dma_start3A_258 = arith.constant 0 : i32
      %dma_start3A_259 = arith.constant 0 : i32
      %dma_start3A_260 = arith.constant 0 : i32
      %dma_start3A_261 = tpu.memref_slice %arg6[%dma_start3A_257, %dma_start3A_259, %dma_start3A_260] : memref<2x512x64xf32, #tpu.memory_space<vmem>> -> memref<1x512x64xf32, #tpu.memory_space<vmem>>
      %dma_start3A_262 = tpu.memref_squeeze %dma_start3A_261 : memref<1x512x64xf32, #tpu.memory_space<vmem>> -> memref<512x64xf32, #tpu.memory_space<vmem>>
      %dma_start3A_263 = tpu.memref_slice %arg4[%add3A_250, %mul3A_256] : memref<409600x128xf32, #tpu.memory_space<hbm>> -> memref<512x64xf32, #tpu.memory_space<hbm>>
      %dma_start3A_264 = tpu.memref_slice %arg8[%dma_start3A_258] : memref<2x!tpu.dma_semaphore, #tpu.memory_space<semaphore_mem>> -> memref<1x!tpu.dma_semaphore, #tpu.memory_space<semaphore_mem>>
      %dma_start3A_265 = tpu.memref_squeeze %dma_start3A_264 : memref<1x!tpu.dma_semaphore, #tpu.memory_space<semaphore_mem>> -> memref<!tpu.dma_semaphore, #tpu.memory_space<semaphore_mem>>
      %dma_start3A_266 = tpu.memref_slice %arg4[%add3A_250, %mul3A_256] : memref<409600x128xf32, #tpu.memory_space<hbm>> -> memref<512x64xf32, #tpu.memory_space<hbm>>
      %dma_start3A_267 = arith.constant 0 : i32
      %dma_start3A_268 = arith.constant 0 : i32
      %dma_start3A_269 = tpu.memref_slice %arg6[%dma_start3A_257, %dma_start3A_267, %dma_start3A_268] : memref<2x512x64xf32, #tpu.memory_space<vmem>> -> memref<1x512x64xf32, #tpu.memory_space<vmem>>
      %dma_start3A_270 = tpu.memref_squeeze %dma_start3A_269 : memref<1x512x64xf32, #tpu.memory_space<vmem>> -> memref<512x64xf32, #tpu.memory_space<vmem>>
      tpu.enqueue_dma source(%dma_start3A_270 : memref<512x64xf32, #tpu.memory_space<vmem>>) target(%dma_start3A_266 : memref<512x64xf32, #tpu.memory_space<hbm>>) target_semaphore(%dma_start3A_265 : memref<!tpu.dma_semaphore, #tpu.memory_space<semaphore_mem>>)
      %lt3A = arith.constant 48 : i32
      %lt3A_271 = arith.cmpi slt, %add3A_105, %lt3A : i32
      %convert_element_type3A_272 = arith.extui %lt3A_271 : i1 to i32
      %cond3A_273 = arith.constant 0 : i32
      %cond3A_274 = arith.cmpi ne, %convert_element_type3A_272, %cond3A_273 : i32
      scf.if %cond3A_274 {
        %dma_wait3A_369 = arith.constant 0 : i32
        %dma_wait3A_370 = arith.constant 0 : i32
        %dma_wait3A_371 = arith.constant 0 : i32
        %dma_wait3A_372 = arith.constant 0 : i32
        %dma_wait3A_373 = tpu.memref_slice %arg6[%dma_wait3A_369, %dma_wait3A_371, %dma_wait3A_372] : memref<2x512x64xf32, #tpu.memory_space<vmem>> -> memref<1x512x64xf32, #tpu.memory_space<vmem>>
        %dma_wait3A_374 = tpu.memref_squeeze %dma_wait3A_373 : memref<1x512x64xf32, #tpu.memory_space<vmem>> -> memref<512x64xf32, #tpu.memory_space<vmem>>
        %dma_wait3A_375 = arith.constant 0 : i32
        %dma_wait3A_376 = arith.constant 0 : i32
        %dma_wait3A_377 = tpu.memref_slice %arg4[%dma_wait3A_375, %dma_wait3A_376] : memref<409600x128xf32, #tpu.memory_space<hbm>> -> memref<512x64xf32, #tpu.memory_space<hbm>>
        %dma_wait3A_378 = tpu.memref_slice %arg8[%dma_wait3A_370] : memref<2x!tpu.dma_semaphore, #tpu.memory_space<semaphore_mem>> -> memref<1x!tpu.dma_semaphore, #tpu.memory_space<semaphore_mem>>
        %dma_wait3A_379 = tpu.memref_squeeze %dma_wait3A_378 : memref<1x!tpu.dma_semaphore, #tpu.memory_space<semaphore_mem>> -> memref<!tpu.dma_semaphore, #tpu.memory_space<semaphore_mem>>
        %dma_wait3A_380 = arith.constant 0 : i32
        %dma_wait3A_381 = arith.constant 0 : i32
        %dma_wait3A_382 = tpu.memref_slice %arg4[%dma_wait3A_380, %dma_wait3A_381] : memref<409600x128xf32, #tpu.memory_space<hbm>> -> memref<512x64xf32, #tpu.memory_space<hbm>>
        %dma_wait3A_383 = arith.constant 0 : i32
        %dma_wait3A_384 = arith.constant 0 : i32
        %dma_wait3A_385 = tpu.memref_slice %arg6[%dma_wait3A_369, %dma_wait3A_383, %dma_wait3A_384] : memref<2x512x64xf32, #tpu.memory_space<vmem>> -> memref<1x512x64xf32, #tpu.memory_space<vmem>>
        %dma_wait3A_386 = tpu.memref_squeeze %dma_wait3A_385 : memref<1x512x64xf32, #tpu.memory_space<vmem>> -> memref<512x64xf32, #tpu.memory_space<vmem>>
        tpu.wait_dma2 semaphore(%dma_wait3A_379 : memref<!tpu.dma_semaphore, #tpu.memory_space<semaphore_mem>>) src(%dma_wait3A_386 : memref<512x64xf32, #tpu.memory_space<vmem>>) dst(%dma_wait3A_382 : memref<512x64xf32, #tpu.memory_space<hbm>>)
        %add3A_387 = arith.constant 2 : i32
        %add3A_388 = arith.addi %add3A_105, %add3A_387 : i32
        %mul3A_389 = arith.constant 4 : i32
        %mul3A_390 = arith.muli %add3A_388, %mul3A_389 : i32
        %add3A_391 = arith.constant 0 : i32
        %add3A_392 = arith.addi %mul3A_390, %add3A_391 : i32
        %dma_start3A_393 = arith.constant 0 : i32
        %dma_start3A_394 = arith.constant 0 : i32
        %dma_start3A_395 = arith.constant 0 : i32
        %dma_start3A_396 = arith.constant 0 : i32
        %dma_start3A_397 = tpu.memref_slice %arg6[%dma_start3A_393, %dma_start3A_395, %dma_start3A_396] : memref<2x512x64xf32, #tpu.memory_space<vmem>> -> memref<1x128x64xf32, #tpu.memory_space<vmem>>
        %dma_start3A_398 = tpu.memref_squeeze %dma_start3A_397 : memref<1x128x64xf32, #tpu.memory_space<vmem>> -> memref<128x64xf32, #tpu.memory_space<vmem>>
        %dma_start3A_399 = arith.constant 0 : i32
        %dma_start3A_400 = tpu.memref_slice %arg5[%add3A_392, %dma_start3A_399] : memref<200x128xi32, #tpu.memory_space<vmem>> -> memref<1x128xi32, #tpu.memory_space<vmem>>
        %dma_start3A_401 = tpu.memref_squeeze %dma_start3A_400 : memref<1x128xi32, #tpu.memory_space<vmem>> -> memref<128xi32, #tpu.memory_space<vmem>>
        %dma_start3A_402 = arith.constant 0 : i32
        %dma_start3A_403 = arith.constant 0 : i32
        %dma_start3A_404 = tpu.memref_slice %arg2[%dma_start3A_402, %dma_start3A_403] : memref<1015808x64xf32, #tpu.memory_space<hbm>> -> memref<1015808x64xf32, #tpu.memory_space<hbm>>
        %dma_start3A_405 = tpu.memref_slice %arg7[%dma_start3A_394] : memref<2x!tpu.dma_semaphore, #tpu.memory_space<semaphore_mem>> -> memref<1x!tpu.dma_semaphore, #tpu.memory_space<semaphore_mem>>
        %dma_start3A_406 = tpu.memref_squeeze %dma_start3A_405 : memref<1x!tpu.dma_semaphore, #tpu.memory_space<semaphore_mem>> -> memref<!tpu.dma_semaphore, #tpu.memory_space<semaphore_mem>>
        tpu.enqueue_indirect_dma source(%dma_start3A_404 : memref<1015808x64xf32, #tpu.memory_space<hbm>>) target(%dma_start3A_398 : memref<128x64xf32, #tpu.memory_space<vmem>>) offsets(%dma_start3A_401 : memref<128xi32, #tpu.memory_space<vmem>>) semaphore(%dma_start3A_406 : memref<!tpu.dma_semaphore, #tpu.memory_space<semaphore_mem>>)
        %mul3A_407 = arith.constant 4 : i32
        %mul3A_408 = arith.muli %add3A_388, %mul3A_407 : i32
        %add3A_409 = arith.constant 1 : i32
        %add3A_410 = arith.addi %mul3A_408, %add3A_409 : i32
        %dma_start3A_411 = arith.constant 0 : i32
        %dma_start3A_412 = arith.constant 0 : i32
        %dma_start3A_413 = arith.constant 128 : i32
        %dma_start3A_414 = arith.constant 0 : i32
        %dma_start3A_415 = tpu.memref_slice %arg6[%dma_start3A_411, %dma_start3A_413, %dma_start3A_414] : memref<2x512x64xf32, #tpu.memory_space<vmem>> -> memref<1x128x64xf32, #tpu.memory_space<vmem>>
        %dma_start3A_416 = tpu.memref_squeeze %dma_start3A_415 : memref<1x128x64xf32, #tpu.memory_space<vmem>> -> memref<128x64xf32, #tpu.memory_space<vmem>>
        %dma_start3A_417 = arith.constant 0 : i32
        %dma_start3A_418 = tpu.memref_slice %arg5[%add3A_410, %dma_start3A_417] : memref<200x128xi32, #tpu.memory_space<vmem>> -> memref<1x128xi32, #tpu.memory_space<vmem>>
        %dma_start3A_419 = tpu.memref_squeeze %dma_start3A_418 : memref<1x128xi32, #tpu.memory_space<vmem>> -> memref<128xi32, #tpu.memory_space<vmem>>
        %dma_start3A_420 = arith.constant 0 : i32
        %dma_start3A_421 = arith.constant 0 : i32
        %dma_start3A_422 = tpu.memref_slice %arg2[%dma_start3A_420, %dma_start3A_421] : memref<1015808x64xf32, #tpu.memory_space<hbm>> -> memref<1015808x64xf32, #tpu.memory_space<hbm>>
        %dma_start3A_423 = tpu.memref_slice %arg7[%dma_start3A_412] : memref<2x!tpu.dma_semaphore, #tpu.memory_space<semaphore_mem>> -> memref<1x!tpu.dma_semaphore, #tpu.memory_space<semaphore_mem>>
        %dma_start3A_424 = tpu.memref_squeeze %dma_start3A_423 : memref<1x!tpu.dma_semaphore, #tpu.memory_space<semaphore_mem>> -> memref<!tpu.dma_semaphore, #tpu.memory_space<semaphore_mem>>
        tpu.enqueue_indirect_dma source(%dma_start3A_422 : memref<1015808x64xf32, #tpu.memory_space<hbm>>) target(%dma_start3A_416 : memref<128x64xf32, #tpu.memory_space<vmem>>) offsets(%dma_start3A_419 : memref<128xi32, #tpu.memory_space<vmem>>) semaphore(%dma_start3A_424 : memref<!tpu.dma_semaphore, #tpu.memory_space<semaphore_mem>>)
        %mul3A_425 = arith.constant 4 : i32
        %mul3A_426 = arith.muli %add3A_388, %mul3A_425 : i32
        %add3A_427 = arith.constant 2 : i32
        %add3A_428 = arith.addi %mul3A_426, %add3A_427 : i32
        %dma_start3A_429 = arith.constant 0 : i32
        %dma_start3A_430 = arith.constant 0 : i32
        %dma_start3A_431 = arith.constant 256 : i32
        %dma_start3A_432 = arith.constant 0 : i32
        %dma_start3A_433 = tpu.memref_slice %arg6[%dma_start3A_429, %dma_start3A_431, %dma_start3A_432] : memref<2x512x64xf32, #tpu.memory_space<vmem>> -> memref<1x128x64xf32, #tpu.memory_space<vmem>>
        %dma_start3A_434 = tpu.memref_squeeze %dma_start3A_433 : memref<1x128x64xf32, #tpu.memory_space<vmem>> -> memref<128x64xf32, #tpu.memory_space<vmem>>
        %dma_start3A_435 = arith.constant 0 : i32
        %dma_start3A_436 = tpu.memref_slice %arg5[%add3A_428, %dma_start3A_435] : memref<200x128xi32, #tpu.memory_space<vmem>> -> memref<1x128xi32, #tpu.memory_space<vmem>>
        %dma_start3A_437 = tpu.memref_squeeze %dma_start3A_436 : memref<1x128xi32, #tpu.memory_space<vmem>> -> memref<128xi32, #tpu.memory_space<vmem>>
        %dma_start3A_438 = arith.constant 0 : i32
        %dma_start3A_439 = arith.constant 0 : i32
        %dma_start3A_440 = tpu.memref_slice %arg2[%dma_start3A_438, %dma_start3A_439] : memref<1015808x64xf32, #tpu.memory_space<hbm>> -> memref<1015808x64xf32, #tpu.memory_space<hbm>>
        %dma_start3A_441 = tpu.memref_slice %arg7[%dma_start3A_430] : memref<2x!tpu.dma_semaphore, #tpu.memory_space<semaphore_mem>> -> memref<1x!tpu.dma_semaphore, #tpu.memory_space<semaphore_mem>>
        %dma_start3A_442 = tpu.memref_squeeze %dma_start3A_441 : memref<1x!tpu.dma_semaphore, #tpu.memory_space<semaphore_mem>> -> memref<!tpu.dma_semaphore, #tpu.memory_space<semaphore_mem>>
        tpu.enqueue_indirect_dma source(%dma_start3A_440 : memref<1015808x64xf32, #tpu.memory_space<hbm>>) target(%dma_start3A_434 : memref<128x64xf32, #tpu.memory_space<vmem>>) offsets(%dma_start3A_437 : memref<128xi32, #tpu.memory_space<vmem>>) semaphore(%dma_start3A_442 : memref<!tpu.dma_semaphore, #tpu.memory_space<semaphore_mem>>)
        %mul3A_443 = arith.constant 4 : i32
        %mul3A_444 = arith.muli %add3A_388, %mul3A_443 : i32
        %add3A_445 = arith.constant 3 : i32
        %add3A_446 = arith.addi %mul3A_444, %add3A_445 : i32
        %dma_start3A_447 = arith.constant 0 : i32
        %dma_start3A_448 = arith.constant 0 : i32
        %dma_start3A_449 = arith.constant 384 : i32
        %dma_start3A_450 = arith.constant 0 : i32
        %dma_start3A_451 = tpu.memref_slice %arg6[%dma_start3A_447, %dma_start3A_449, %dma_start3A_450] : memref<2x512x64xf32, #tpu.memory_space<vmem>> -> memref<1x128x64xf32, #tpu.memory_space<vmem>>
        %dma_start3A_452 = tpu.memref_squeeze %dma_start3A_451 : memref<1x128x64xf32, #tpu.memory_space<vmem>> -> memref<128x64xf32, #tpu.memory_space<vmem>>
        %dma_start3A_453 = arith.constant 0 : i32
        %dma_start3A_454 = tpu.memref_slice %arg5[%add3A_446, %dma_start3A_453] : memref<200x128xi32, #tpu.memory_space<vmem>> -> memref<1x128xi32, #tpu.memory_space<vmem>>
        %dma_start3A_455 = tpu.memref_squeeze %dma_start3A_454 : memref<1x128xi32, #tpu.memory_space<vmem>> -> memref<128xi32, #tpu.memory_space<vmem>>
        %dma_start3A_456 = arith.constant 0 : i32
        %dma_start3A_457 = arith.constant 0 : i32
        %dma_start3A_458 = tpu.memref_slice %arg2[%dma_start3A_456, %dma_start3A_457] : memref<1015808x64xf32, #tpu.memory_space<hbm>> -> memref<1015808x64xf32, #tpu.memory_space<hbm>>
        %dma_start3A_459 = tpu.memref_slice %arg7[%dma_start3A_448] : memref<2x!tpu.dma_semaphore, #tpu.memory_space<semaphore_mem>> -> memref<1x!tpu.dma_semaphore, #tpu.memory_space<semaphore_mem>>
        %dma_start3A_460 = tpu.memref_squeeze %dma_start3A_459 : memref<1x!tpu.dma_semaphore, #tpu.memory_space<semaphore_mem>> -> memref<!tpu.dma_semaphore, #tpu.memory_space<semaphore_mem>>
        tpu.enqueue_indirect_dma source(%dma_start3A_458 : memref<1015808x64xf32, #tpu.memory_space<hbm>>) target(%dma_start3A_452 : memref<128x64xf32, #tpu.memory_space<vmem>>) offsets(%dma_start3A_455 : memref<128xi32, #tpu.memory_space<vmem>>) semaphore(%dma_start3A_460 : memref<!tpu.dma_semaphore, #tpu.memory_space<semaphore_mem>>)
      } else {
      }
      %dma_wait3A_275 = arith.constant 0 : i32
      %dma_wait3A_276 = arith.constant 1 : i32
      %dma_wait3A_277 = arith.constant 1 : i32
      %dma_wait3A_278 = arith.constant 0 : i32
      %dma_wait3A_279 = arith.constant 0 : i32
      %dma_wait3A_280 = tpu.memref_slice %arg6[%dma_wait3A_276, %dma_wait3A_278, %dma_wait3A_279] : memref<2x512x64xf32, #tpu.memory_space<vmem>> -> memref<1x128x64xf32, #tpu.memory_space<vmem>>
      %dma_wait3A_281 = tpu.memref_squeeze %dma_wait3A_280 : memref<1x128x64xf32, #tpu.memory_space<vmem>> -> memref<128x64xf32, #tpu.memory_space<vmem>>
      %dma_wait3A_282 = arith.constant 0 : i32
      %dma_wait3A_283 = tpu.memref_slice %arg5[%dma_wait3A_275, %dma_wait3A_282] : memref<200x128xi32, #tpu.memory_space<vmem>> -> memref<1x128xi32, #tpu.memory_space<vmem>>
      %dma_wait3A_284 = tpu.memref_squeeze %dma_wait3A_283 : memref<1x128xi32, #tpu.memory_space<vmem>> -> memref<128xi32, #tpu.memory_space<vmem>>
      %dma_wait3A_285 = arith.constant 0 : i32
      %dma_wait3A_286 = arith.constant 0 : i32
      %dma_wait3A_287 = tpu.memref_slice %arg2[%dma_wait3A_285, %dma_wait3A_286] : memref<1015808x64xf32, #tpu.memory_space<hbm>> -> memref<1015808x64xf32, #tpu.memory_space<hbm>>
      %dma_wait3A_288 = tpu.memref_slice %arg7[%dma_wait3A_277] : memref<2x!tpu.dma_semaphore, #tpu.memory_space<semaphore_mem>> -> memref<1x!tpu.dma_semaphore, #tpu.memory_space<semaphore_mem>>
      %dma_wait3A_289 = tpu.memref_squeeze %dma_wait3A_288 : memref<1x!tpu.dma_semaphore, #tpu.memory_space<semaphore_mem>> -> memref<!tpu.dma_semaphore, #tpu.memory_space<semaphore_mem>>
      tpu.wait_indirect_dma semaphore(%dma_wait3A_289 : memref<!tpu.dma_semaphore, #tpu.memory_space<semaphore_mem>>) src(%dma_wait3A_287 : memref<1015808x64xf32, #tpu.memory_space<hbm>>) dst(%dma_wait3A_281 : memref<128x64xf32, #tpu.memory_space<vmem>>)
      %dma_wait3A_290 = arith.constant 0 : i32
      %dma_wait3A_291 = arith.constant 1 : i32
      %dma_wait3A_292 = arith.constant 1 : i32
      %dma_wait3A_293 = arith.constant 128 : i32
      %dma_wait3A_294 = arith.constant 0 : i32
      %dma_wait3A_295 = tpu.memref_slice %arg6[%dma_wait3A_291, %dma_wait3A_293, %dma_wait3A_294] : memref<2x512x64xf32, #tpu.memory_space<vmem>> -> memref<1x128x64xf32, #tpu.memory_space<vmem>>
      %dma_wait3A_296 = tpu.memref_squeeze %dma_wait3A_295 : memref<1x128x64xf32, #tpu.memory_space<vmem>> -> memref<128x64xf32, #tpu.memory_space<vmem>>
      %dma_wait3A_297 = arith.constant 0 : i32
      %dma_wait3A_298 = tpu.memref_slice %arg5[%dma_wait3A_290, %dma_wait3A_297] : memref<200x128xi32, #tpu.memory_space<vmem>> -> memref<1x128xi32, #tpu.memory_space<vmem>>
      %dma_wait3A_299 = tpu.memref_squeeze %dma_wait3A_298 : memref<1x128xi32, #tpu.memory_space<vmem>> -> memref<128xi32, #tpu.memory_space<vmem>>
      %dma_wait3A_300 = arith.constant 0 : i32
      %dma_wait3A_301 = arith.constant 0 : i32
      %dma_wait3A_302 = tpu.memref_slice %arg2[%dma_wait3A_300, %dma_wait3A_301] : memref<1015808x64xf32, #tpu.memory_space<hbm>> -> memref<1015808x64xf32, #tpu.memory_space<hbm>>
      %dma_wait3A_303 = tpu.memref_slice %arg7[%dma_wait3A_292] : memref<2x!tpu.dma_semaphore, #tpu.memory_space<semaphore_mem>> -> memref<1x!tpu.dma_semaphore, #tpu.memory_space<semaphore_mem>>
      %dma_wait3A_304 = tpu.memref_squeeze %dma_wait3A_303 : memref<1x!tpu.dma_semaphore, #tpu.memory_space<semaphore_mem>> -> memref<!tpu.dma_semaphore, #tpu.memory_space<semaphore_mem>>
      tpu.wait_indirect_dma semaphore(%dma_wait3A_304 : memref<!tpu.dma_semaphore, #tpu.memory_space<semaphore_mem>>) src(%dma_wait3A_302 : memref<1015808x64xf32, #tpu.memory_space<hbm>>) dst(%dma_wait3A_296 : memref<128x64xf32, #tpu.memory_space<vmem>>)
      %dma_wait3A_305 = arith.constant 0 : i32
      %dma_wait3A_306 = arith.constant 1 : i32
      %dma_wait3A_307 = arith.constant 1 : i32
      %dma_wait3A_308 = arith.constant 256 : i32
      %dma_wait3A_309 = arith.constant 0 : i32
      %dma_wait3A_310 = tpu.memref_slice %arg6[%dma_wait3A_306, %dma_wait3A_308, %dma_wait3A_309] : memref<2x512x64xf32, #tpu.memory_space<vmem>> -> memref<1x128x64xf32, #tpu.memory_space<vmem>>
      %dma_wait3A_311 = tpu.memref_squeeze %dma_wait3A_310 : memref<1x128x64xf32, #tpu.memory_space<vmem>> -> memref<128x64xf32, #tpu.memory_space<vmem>>
      %dma_wait3A_312 = arith.constant 0 : i32
      %dma_wait3A_313 = tpu.memref_slice %arg5[%dma_wait3A_305, %dma_wait3A_312] : memref<200x128xi32, #tpu.memory_space<vmem>> -> memref<1x128xi32, #tpu.memory_space<vmem>>
      %dma_wait3A_314 = tpu.memref_squeeze %dma_wait3A_313 : memref<1x128xi32, #tpu.memory_space<vmem>> -> memref<128xi32, #tpu.memory_space<vmem>>
      %dma_wait3A_315 = arith.constant 0 : i32
      %dma_wait3A_316 = arith.constant 0 : i32
      %dma_wait3A_317 = tpu.memref_slice %arg2[%dma_wait3A_315, %dma_wait3A_316] : memref<1015808x64xf32, #tpu.memory_space<hbm>> -> memref<1015808x64xf32, #tpu.memory_space<hbm>>
      %dma_wait3A_318 = tpu.memref_slice %arg7[%dma_wait3A_307] : memref<2x!tpu.dma_semaphore, #tpu.memory_space<semaphore_mem>> -> memref<1x!tpu.dma_semaphore, #tpu.memory_space<semaphore_mem>>
      %dma_wait3A_319 = tpu.memref_squeeze %dma_wait3A_318 : memref<1x!tpu.dma_semaphore, #tpu.memory_space<semaphore_mem>> -> memref<!tpu.dma_semaphore, #tpu.memory_space<semaphore_mem>>
      tpu.wait_indirect_dma semaphore(%dma_wait3A_319 : memref<!tpu.dma_semaphore, #tpu.memory_space<semaphore_mem>>) src(%dma_wait3A_317 : memref<1015808x64xf32, #tpu.memory_space<hbm>>) dst(%dma_wait3A_311 : memref<128x64xf32, #tpu.memory_space<vmem>>)
      %dma_wait3A_320 = arith.constant 0 : i32
      %dma_wait3A_321 = arith.constant 1 : i32
      %dma_wait3A_322 = arith.constant 1 : i32
      %dma_wait3A_323 = arith.constant 384 : i32
      %dma_wait3A_324 = arith.constant 0 : i32
      %dma_wait3A_325 = tpu.memref_slice %arg6[%dma_wait3A_321, %dma_wait3A_323, %dma_wait3A_324] : memref<2x512x64xf32, #tpu.memory_space<vmem>> -> memref<1x128x64xf32, #tpu.memory_space<vmem>>
      %dma_wait3A_326 = tpu.memref_squeeze %dma_wait3A_325 : memref<1x128x64xf32, #tpu.memory_space<vmem>> -> memref<128x64xf32, #tpu.memory_space<vmem>>
      %dma_wait3A_327 = arith.constant 0 : i32
      %dma_wait3A_328 = tpu.memref_slice %arg5[%dma_wait3A_320, %dma_wait3A_327] : memref<200x128xi32, #tpu.memory_space<vmem>> -> memref<1x128xi32, #tpu.memory_space<vmem>>
      %dma_wait3A_329 = tpu.memref_squeeze %dma_wait3A_328 : memref<1x128xi32, #tpu.memory_space<vmem>> -> memref<128xi32, #tpu.memory_space<vmem>>
      %dma_wait3A_330 = arith.constant 0 : i32
      %dma_wait3A_331 = arith.constant 0 : i32
      %dma_wait3A_332 = tpu.memref_slice %arg2[%dma_wait3A_330, %dma_wait3A_331] : memref<1015808x64xf32, #tpu.memory_space<hbm>> -> memref<1015808x64xf32, #tpu.memory_space<hbm>>
      %dma_wait3A_333 = tpu.memref_slice %arg7[%dma_wait3A_322] : memref<2x!tpu.dma_semaphore, #tpu.memory_space<semaphore_mem>> -> memref<1x!tpu.dma_semaphore, #tpu.memory_space<semaphore_mem>>
      %dma_wait3A_334 = tpu.memref_squeeze %dma_wait3A_333 : memref<1x!tpu.dma_semaphore, #tpu.memory_space<semaphore_mem>> -> memref<!tpu.dma_semaphore, #tpu.memory_space<semaphore_mem>>
      tpu.wait_indirect_dma semaphore(%dma_wait3A_334 : memref<!tpu.dma_semaphore, #tpu.memory_space<semaphore_mem>>) src(%dma_wait3A_332 : memref<1015808x64xf32, #tpu.memory_space<hbm>>) dst(%dma_wait3A_326 : memref<128x64xf32, #tpu.memory_space<vmem>>)
      %add3A_335 = arith.constant 1 : i32
      %add3A_336 = arith.addi %add3A_105, %add3A_335 : i32
      %mul3A_337 = arith.constant 4 : i32
      %mul3A_338 = arith.muli %add3A_336, %mul3A_337 : i32
      %add3A_339 = arith.addi %mul3A_2, %mul3A_338 : i32
      %mul3A_340 = arith.constant 128 : i32
      %mul3A_341 = arith.muli %add3A_339, %mul3A_340 : i32
      %shift_right_arithmetic3A_342 = arith.constant 12 : i32
      %shift_right_arithmetic3A_343 = arith.shrsi %mul3A_341, %shift_right_arithmetic3A_342 : i32
      %shift_left3A_344 = arith.constant 11 : i32
      %shift_left3A_345 = arith.shli %shift_right_arithmetic3A_343, %shift_left3A_344 : i32
      %and3A_346 = arith.constant 2047 : i32
      %and3A_347 = arith.andi %mul3A_341, %and3A_346 : i32
      %add3A_348 = arith.addi %shift_left3A_345, %and3A_347 : i32
      %and3A_349 = arith.constant 4095 : i32
      %and3A_350 = arith.andi %mul3A_341, %and3A_349 : i32
      %shift_right_arithmetic3A_351 = arith.constant 11 : i32
      %shift_right_arithmetic3A_352 = arith.shrsi %and3A_350, %shift_right_arithmetic3A_351 : i32
      %mul3A_353 = arith.constant 64 : i32
      %mul3A_354 = arith.muli %shift_right_arithmetic3A_352, %mul3A_353 : i32
      %dma_start3A_355 = arith.constant 1 : i32
      %dma_start3A_356 = arith.constant 1 : i32
      %dma_start3A_357 = arith.constant 0 : i32
      %dma_start3A_358 = arith.constant 0 : i32
      %dma_start3A_359 = tpu.memref_slice %arg6[%dma_start3A_355, %dma_start3A_357, %dma_start3A_358] : memref<2x512x64xf32, #tpu.memory_space<vmem>> -> memref<1x512x64xf32, #tpu.memory_space<vmem>>
      %dma_start3A_360 = tpu.memref_squeeze %dma_start3A_359 : memref<1x512x64xf32, #tpu.memory_space<vmem>> -> memref<512x64xf32, #tpu.memory_space<vmem>>
      %dma_start3A_361 = tpu.memref_slice %arg4[%add3A_348, %mul3A_354] : memref<409600x128xf32, #tpu.memory_space<hbm>> -> memref<512x64xf32, #tpu.memory_space<hbm>>
      %dma_start3A_362 = tpu.memref_slice %arg8[%dma_start3A_356] : memref<2x!tpu.dma_semaphore, #tpu.memory_space<semaphore_mem>> -> memref<1x!tpu.dma_semaphore, #tpu.memory_space<semaphore_mem>>
      %dma_start3A_363 = tpu.memref_squeeze %dma_start3A_362 : memref<1x!tpu.dma_semaphore, #tpu.memory_space<semaphore_mem>> -> memref<!tpu.dma_semaphore, #tpu.memory_space<semaphore_mem>>
      %dma_start3A_364 = tpu.memref_slice %arg4[%add3A_348, %mul3A_354] : memref<409600x128xf32, #tpu.memory_space<hbm>> -> memref<512x64xf32, #tpu.memory_space<hbm>>
      %dma_start3A_365 = arith.constant 0 : i32
      %dma_start3A_366 = arith.constant 0 : i32
      %dma_start3A_367 = tpu.memref_slice %arg6[%dma_start3A_355, %dma_start3A_365, %dma_start3A_366] : memref<2x512x64xf32, #tpu.memory_space<vmem>> -> memref<1x512x64xf32, #tpu.memory_space<vmem>>
      %dma_start3A_368 = tpu.memref_squeeze %dma_start3A_367 : memref<1x512x64xf32, #tpu.memory_space<vmem>> -> memref<512x64xf32, #tpu.memory_space<vmem>>
      tpu.enqueue_dma source(%dma_start3A_368 : memref<512x64xf32, #tpu.memory_space<vmem>>) target(%dma_start3A_364 : memref<512x64xf32, #tpu.memory_space<hbm>>) target_semaphore(%dma_start3A_363 : memref<!tpu.dma_semaphore, #tpu.memory_space<semaphore_mem>>)
    }
    %scan3A_65 = arith.constant 25 : i32
    %dma_wait3A = arith.constant 0 : i32
    %dma_wait3A_66 = arith.constant 0 : i32
    %dma_wait3A_67 = arith.constant 0 : i32
    %dma_wait3A_68 = arith.constant 0 : i32
    %dma_wait3A_69 = tpu.memref_slice %arg6[%dma_wait3A, %dma_wait3A_67, %dma_wait3A_68] : memref<2x512x64xf32, #tpu.memory_space<vmem>> -> memref<1x512x64xf32, #tpu.memory_space<vmem>>
    %dma_wait3A_70 = tpu.memref_squeeze %dma_wait3A_69 : memref<1x512x64xf32, #tpu.memory_space<vmem>> -> memref<512x64xf32, #tpu.memory_space<vmem>>
    %dma_wait3A_71 = arith.constant 0 : i32
    %dma_wait3A_72 = arith.constant 0 : i32
    %dma_wait3A_73 = tpu.memref_slice %arg4[%dma_wait3A_71, %dma_wait3A_72] : memref<409600x128xf32, #tpu.memory_space<hbm>> -> memref<512x64xf32, #tpu.memory_space<hbm>>
    %dma_wait3A_74 = tpu.memref_slice %arg8[%dma_wait3A_66] : memref<2x!tpu.dma_semaphore, #tpu.memory_space<semaphore_mem>> -> memref<1x!tpu.dma_semaphore, #tpu.memory_space<semaphore_mem>>
    %dma_wait3A_75 = tpu.memref_squeeze %dma_wait3A_74 : memref<1x!tpu.dma_semaphore, #tpu.memory_space<semaphore_mem>> -> memref<!tpu.dma_semaphore, #tpu.memory_space<semaphore_mem>>
    %dma_wait3A_76 = arith.constant 0 : i32
    %dma_wait3A_77 = arith.constant 0 : i32
    %dma_wait3A_78 = tpu.memref_slice %arg4[%dma_wait3A_76, %dma_wait3A_77] : memref<409600x128xf32, #tpu.memory_space<hbm>> -> memref<512x64xf32, #tpu.memory_space<hbm>>
    %dma_wait3A_79 = arith.constant 0 : i32
    %dma_wait3A_80 = arith.constant 0 : i32
    %dma_wait3A_81 = tpu.memref_slice %arg6[%dma_wait3A, %dma_wait3A_79, %dma_wait3A_80] : memref<2x512x64xf32, #tpu.memory_space<vmem>> -> memref<1x512x64xf32, #tpu.memory_space<vmem>>
    %dma_wait3A_82 = tpu.memref_squeeze %dma_wait3A_81 : memref<1x512x64xf32, #tpu.memory_space<vmem>> -> memref<512x64xf32, #tpu.memory_space<vmem>>
    tpu.wait_dma2 semaphore(%dma_wait3A_75 : memref<!tpu.dma_semaphore, #tpu.memory_space<semaphore_mem>>) src(%dma_wait3A_82 : memref<512x64xf32, #tpu.memory_space<vmem>>) dst(%dma_wait3A_78 : memref<512x64xf32, #tpu.memory_space<hbm>>)
    %dma_wait3A_83 = arith.constant 1 : i32
    %dma_wait3A_84 = arith.constant 1 : i32
    %dma_wait3A_85 = arith.constant 0 : i32
    %dma_wait3A_86 = arith.constant 0 : i32
    %dma_wait3A_87 = tpu.memref_slice %arg6[%dma_wait3A_83, %dma_wait3A_85, %dma_wait3A_86] : memref<2x512x64xf32, #tpu.memory_space<vmem>> -> memref<1x512x64xf32, #tpu.memory_space<vmem>>
    %dma_wait3A_88 = tpu.memref_squeeze %dma_wait3A_87 : memref<1x512x64xf32, #tpu.memory_space<vmem>> -> memref<512x64xf32, #tpu.memory_space<vmem>>
    %dma_wait3A_89 = arith.constant 0 : i32
    %dma_wait3A_90 = arith.constant 0 : i32
    %dma_wait3A_91 = tpu.memref_slice %arg4[%dma_wait3A_89, %dma_wait3A_90] : memref<409600x128xf32, #tpu.memory_space<hbm>> -> memref<512x64xf32, #tpu.memory_space<hbm>>
    %dma_wait3A_92 = tpu.memref_slice %arg8[%dma_wait3A_84] : memref<2x!tpu.dma_semaphore, #tpu.memory_space<semaphore_mem>> -> memref<1x!tpu.dma_semaphore, #tpu.memory_space<semaphore_mem>>
    %dma_wait3A_93 = tpu.memref_squeeze %dma_wait3A_92 : memref<1x!tpu.dma_semaphore, #tpu.memory_space<semaphore_mem>> -> memref<!tpu.dma_semaphore, #tpu.memory_space<semaphore_mem>>
    %dma_wait3A_94 = arith.constant 0 : i32
    %dma_wait3A_95 = arith.constant 0 : i32
    %dma_wait3A_96 = tpu.memref_slice %arg4[%dma_wait3A_94, %dma_wait3A_95] : memref<409600x128xf32, #tpu.memory_space<hbm>> -> memref<512x64xf32, #tpu.memory_space<hbm>>
    %dma_wait3A_97 = arith.constant 0 : i32
    %dma_wait3A_98 = arith.constant 0 : i32
    %dma_wait3A_99 = tpu.memref_slice %arg6[%dma_wait3A_83, %dma_wait3A_97, %dma_wait3A_98] : memref<2x512x64xf32, #tpu.memory_space<vmem>> -> memref<1x512x64xf32, #tpu.memory_space<vmem>>
    %dma_wait3A_100 = tpu.memref_squeeze %dma_wait3A_99 : memref<1x512x64xf32, #tpu.memory_space<vmem>> -> memref<512x64xf32, #tpu.memory_space<vmem>>
    tpu.wait_dma2 semaphore(%dma_wait3A_93 : memref<!tpu.dma_semaphore, #tpu.memory_space<semaphore_mem>>) src(%dma_wait3A_100 : memref<512x64xf32, #tpu.memory_space<vmem>>) dst(%dma_wait3A_96 : memref<512x64xf32, #tpu.memory_space<hbm>>)
    return
  }
}

module attributes {stable_mosaic.version = 14 : i64} {
  func.func @_ttab_body(%arg0: i32, %arg1: memref<64x16384xf32, #tpu.memory_space<vmem>>, %arg2: memref<8192x128xf32, #tpu.memory_space<vmem>>) attributes {dimension_semantics = [#tpu.dimension_semantics<parallel>], iteration_bounds = array<i64: 62>, scalar_prefetch = 0 : i64, scratch_operands = 0 : i64, tpu.core_type = #tpu.core_type<tc>, window_params = [{transform_indices = @transform_0, window_bounds = array<i64: 64, 16384>}, {transform_indices = @transform_1, window_bounds = array<i64: 8192, 128>}]} {
    %get3A = arith.constant 0 : index
    %get3A_0 = arith.constant 0 : index
    %get3A_1 = vector.load %arg1[%get3A, %get3A_0] : memref<64x16384xf32, #tpu.memory_space<vmem>>, vector<64x8192xf32>
    %transpose3A = tpu.transpose %get3A_1, [1, 0] : vector<64x8192xf32> -> vector<8192x64xf32>
    %swap3A = arith.constant 0 : index
    %swap3A_2 = arith.constant 0 : index
    %swap3A_3 = vector.load %arg2[%swap3A, %swap3A_2] : memref<8192x128xf32, #tpu.memory_space<vmem>>, vector<8192x64xf32>
    tpu.vector_store %arg2[%swap3A, %swap3A_2], %transpose3A {strides = array<i32>} : memref<8192x128xf32, #tpu.memory_space<vmem>>, vector<8192x64xf32>,
    %get3A_4 = arith.constant 0 : index
    %get3A_5 = arith.constant 8192 : index
    %get3A_6 = vector.load %arg1[%get3A_4, %get3A_5] : memref<64x16384xf32, #tpu.memory_space<vmem>>, vector<64x8192xf32>
    %transpose3A_7 = tpu.transpose %get3A_6, [1, 0] : vector<64x8192xf32> -> vector<8192x64xf32>
    %swap3A_8 = arith.constant 0 : index
    %swap3A_9 = arith.constant 64 : index
    %swap3A_10 = vector.load %arg2[%swap3A_8, %swap3A_9] : memref<8192x128xf32, #tpu.memory_space<vmem>>, vector<8192x64xf32>
    tpu.vector_store %arg2[%swap3A_8, %swap3A_9], %transpose3A_7 {strides = array<i32>} : memref<8192x128xf32, #tpu.memory_space<vmem>>, vector<8192x64xf32>,
    return
  }
  func.func @transform_0(%arg0: i32) -> (i32, i32) {
    %c0_i32 = arith.constant 0 : i32
    %c0_i32_0 = arith.constant 0 : i32
    return %c0_i32, %arg0 : i32, i32
  }
  func.func @transform_1(%arg0: i32) -> (i32, i32) {
    %c0_i32 = arith.constant 0 : i32
    %c0_i32_0 = arith.constant 0 : i32
    return %arg0, %c0_i32 : i32, i32
  }
}

module attributes {stable_mosaic.version = 14 : i64} {
  func.func @_tout_body(%arg0: i32, %arg1: memref<16384x128xf32, #tpu.memory_space<vmem>>, %arg2: memref<8x64x4096xf32, #tpu.memory_space<vmem>>) attributes {dimension_semantics = [#tpu.dimension_semantics<parallel>], iteration_bounds = array<i64: 25>, scalar_prefetch = 0 : i64, scratch_operands = 0 : i64, tpu.core_type = #tpu.core_type<tc>, window_params = [{transform_indices = @transform_0, window_bounds = array<i64: 16384, 128>}, {transform_indices = @transform_1, window_bounds = array<i64: 8, 64, 4096>}]} {
    %get3A = arith.constant 0 : index
    %get3A_0 = arith.constant 0 : index
    %get3A_1 = vector.load %arg1[%get3A, %get3A_0] : memref<16384x128xf32, #tpu.memory_space<vmem>>, vector<2048x128xf32>
    %slice3A = vector.extract_strided_slice %get3A_1 {offsets = [0, 0], sizes = [2048, 64], strides = [1, 1]} : vector<2048x128xf32> to vector<2048x64xf32>
    %transpose3A = tpu.transpose %slice3A, [1, 0] : vector<2048x64xf32> -> vector<64x2048xf32>
    %swap3A = arith.constant 0 : index
    %swap3A_2 = arith.constant 0 : index
    %swap3A_3 = arith.constant 0 : index
    %swap3A_4 = vector.load %arg2[%swap3A, %swap3A_2, %swap3A_3] : memref<8x64x4096xf32, #tpu.memory_space<vmem>>, vector<1x64x2048xf32>
    %swap3A_5 = vector.shape_cast %swap3A_4 : vector<1x64x2048xf32> to vector<64x2048xf32>
    %swap3A_6 = vector.shape_cast %transpose3A : vector<64x2048xf32> to vector<1x64x2048xf32>
    tpu.vector_store %arg2[%swap3A, %swap3A_2, %swap3A_3], %swap3A_6 {strides = array<i32>} : memref<8x64x4096xf32, #tpu.memory_space<vmem>>, vector<1x64x2048xf32>,
    %slice3A_7 = vector.extract_strided_slice %get3A_1 {offsets = [0, 64], sizes = [2048, 64], strides = [1, 1]} : vector<2048x128xf32> to vector<2048x64xf32>
    %transpose3A_8 = tpu.transpose %slice3A_7, [1, 0] : vector<2048x64xf32> -> vector<64x2048xf32>
    %swap3A_9 = arith.constant 0 : index
    %swap3A_10 = arith.constant 0 : index
    %swap3A_11 = arith.constant 2048 : index
    %swap3A_12 = vector.load %arg2[%swap3A_9, %swap3A_10, %swap3A_11] : memref<8x64x4096xf32, #tpu.memory_space<vmem>>, vector<1x64x2048xf32>
    %swap3A_13 = vector.shape_cast %swap3A_12 : vector<1x64x2048xf32> to vector<64x2048xf32>
    %swap3A_14 = vector.shape_cast %transpose3A_8 : vector<64x2048xf32> to vector<1x64x2048xf32>
    tpu.vector_store %arg2[%swap3A_9, %swap3A_10, %swap3A_11], %swap3A_14 {strides = array<i32>} : memref<8x64x4096xf32, #tpu.memory_space<vmem>>, vector<1x64x2048xf32>,
    %get3A_15 = arith.constant 2048 : index
    %get3A_16 = arith.constant 0 : index
    %get3A_17 = vector.load %arg1[%get3A_15, %get3A_16] : memref<16384x128xf32, #tpu.memory_space<vmem>>, vector<2048x128xf32>
    %slice3A_18 = vector.extract_strided_slice %get3A_17 {offsets = [0, 0], sizes = [2048, 64], strides = [1, 1]} : vector<2048x128xf32> to vector<2048x64xf32>
    %transpose3A_19 = tpu.transpose %slice3A_18, [1, 0] : vector<2048x64xf32> -> vector<64x2048xf32>
    %swap3A_20 = arith.constant 1 : index
    %swap3A_21 = arith.constant 0 : index
    %swap3A_22 = arith.constant 0 : index
    %swap3A_23 = vector.load %arg2[%swap3A_20, %swap3A_21, %swap3A_22] : memref<8x64x4096xf32, #tpu.memory_space<vmem>>, vector<1x64x2048xf32>
    %swap3A_24 = vector.shape_cast %swap3A_23 : vector<1x64x2048xf32> to vector<64x2048xf32>
    %swap3A_25 = vector.shape_cast %transpose3A_19 : vector<64x2048xf32> to vector<1x64x2048xf32>
    tpu.vector_store %arg2[%swap3A_20, %swap3A_21, %swap3A_22], %swap3A_25 {strides = array<i32>} : memref<8x64x4096xf32, #tpu.memory_space<vmem>>, vector<1x64x2048xf32>,
    %slice3A_26 = vector.extract_strided_slice %get3A_17 {offsets = [0, 64], sizes = [2048, 64], strides = [1, 1]} : vector<2048x128xf32> to vector<2048x64xf32>
    %transpose3A_27 = tpu.transpose %slice3A_26, [1, 0] : vector<2048x64xf32> -> vector<64x2048xf32>
    %swap3A_28 = arith.constant 1 : index
    %swap3A_29 = arith.constant 0 : index
    %swap3A_30 = arith.constant 2048 : index
    %swap3A_31 = vector.load %arg2[%swap3A_28, %swap3A_29, %swap3A_30] : memref<8x64x4096xf32, #tpu.memory_space<vmem>>, vector<1x64x2048xf32>
    %swap3A_32 = vector.shape_cast %swap3A_31 : vector<1x64x2048xf32> to vector<64x2048xf32>
    %swap3A_33 = vector.shape_cast %transpose3A_27 : vector<64x2048xf32> to vector<1x64x2048xf32>
    tpu.vector_store %arg2[%swap3A_28, %swap3A_29, %swap3A_30], %swap3A_33 {strides = array<i32>} : memref<8x64x4096xf32, #tpu.memory_space<vmem>>, vector<1x64x2048xf32>,
    %get3A_34 = arith.constant 4096 : index
    %get3A_35 = arith.constant 0 : index
    %get3A_36 = vector.load %arg1[%get3A_34, %get3A_35] : memref<16384x128xf32, #tpu.memory_space<vmem>>, vector<2048x128xf32>
    %slice3A_37 = vector.extract_strided_slice %get3A_36 {offsets = [0, 0], sizes = [2048, 64], strides = [1, 1]} : vector<2048x128xf32> to vector<2048x64xf32>
    %transpose3A_38 = tpu.transpose %slice3A_37, [1, 0] : vector<2048x64xf32> -> vector<64x2048xf32>
    %swap3A_39 = arith.constant 2 : index
    %swap3A_40 = arith.constant 0 : index
    %swap3A_41 = arith.constant 0 : index
    %swap3A_42 = vector.load %arg2[%swap3A_39, %swap3A_40, %swap3A_41] : memref<8x64x4096xf32, #tpu.memory_space<vmem>>, vector<1x64x2048xf32>
    %swap3A_43 = vector.shape_cast %swap3A_42 : vector<1x64x2048xf32> to vector<64x2048xf32>
    %swap3A_44 = vector.shape_cast %transpose3A_38 : vector<64x2048xf32> to vector<1x64x2048xf32>
    tpu.vector_store %arg2[%swap3A_39, %swap3A_40, %swap3A_41], %swap3A_44 {strides = array<i32>} : memref<8x64x4096xf32, #tpu.memory_space<vmem>>, vector<1x64x2048xf32>,
    %slice3A_45 = vector.extract_strided_slice %get3A_36 {offsets = [0, 64], sizes = [2048, 64], strides = [1, 1]} : vector<2048x128xf32> to vector<2048x64xf32>
    %transpose3A_46 = tpu.transpose %slice3A_45, [1, 0] : vector<2048x64xf32> -> vector<64x2048xf32>
    %swap3A_47 = arith.constant 2 : index
    %swap3A_48 = arith.constant 0 : index
    %swap3A_49 = arith.constant 2048 : index
    %swap3A_50 = vector.load %arg2[%swap3A_47, %swap3A_48, %swap3A_49] : memref<8x64x4096xf32, #tpu.memory_space<vmem>>, vector<1x64x2048xf32>
    %swap3A_51 = vector.shape_cast %swap3A_50 : vector<1x64x2048xf32> to vector<64x2048xf32>
    %swap3A_52 = vector.shape_cast %transpose3A_46 : vector<64x2048xf32> to vector<1x64x2048xf32>
    tpu.vector_store %arg2[%swap3A_47, %swap3A_48, %swap3A_49], %swap3A_52 {strides = array<i32>} : memref<8x64x4096xf32, #tpu.memory_space<vmem>>, vector<1x64x2048xf32>,
    %get3A_53 = arith.constant 6144 : index
    %get3A_54 = arith.constant 0 : index
    %get3A_55 = vector.load %arg1[%get3A_53, %get3A_54] : memref<16384x128xf32, #tpu.memory_space<vmem>>, vector<2048x128xf32>
    %slice3A_56 = vector.extract_strided_slice %get3A_55 {offsets = [0, 0], sizes = [2048, 64], strides = [1, 1]} : vector<2048x128xf32> to vector<2048x64xf32>
    %transpose3A_57 = tpu.transpose %slice3A_56, [1, 0] : vector<2048x64xf32> -> vector<64x2048xf32>
    %swap3A_58 = arith.constant 3 : index
    %swap3A_59 = arith.constant 0 : index
    %swap3A_60 = arith.constant 0 : index
    %swap3A_61 = vector.load %arg2[%swap3A_58, %swap3A_59, %swap3A_60] : memref<8x64x4096xf32, #tpu.memory_space<vmem>>, vector<1x64x2048xf32>
    %swap3A_62 = vector.shape_cast %swap3A_61 : vector<1x64x2048xf32> to vector<64x2048xf32>
    %swap3A_63 = vector.shape_cast %transpose3A_57 : vector<64x2048xf32> to vector<1x64x2048xf32>
    tpu.vector_store %arg2[%swap3A_58, %swap3A_59, %swap3A_60], %swap3A_63 {strides = array<i32>} : memref<8x64x4096xf32, #tpu.memory_space<vmem>>, vector<1x64x2048xf32>,
    %slice3A_64 = vector.extract_strided_slice %get3A_55 {offsets = [0, 64], sizes = [2048, 64], strides = [1, 1]} : vector<2048x128xf32> to vector<2048x64xf32>
    %transpose3A_65 = tpu.transpose %slice3A_64, [1, 0] : vector<2048x64xf32> -> vector<64x2048xf32>
    %swap3A_66 = arith.constant 3 : index
    %swap3A_67 = arith.constant 0 : index
    %swap3A_68 = arith.constant 2048 : index
    %swap3A_69 = vector.load %arg2[%swap3A_66, %swap3A_67, %swap3A_68] : memref<8x64x4096xf32, #tpu.memory_space<vmem>>, vector<1x64x2048xf32>
    %swap3A_70 = vector.shape_cast %swap3A_69 : vector<1x64x2048xf32> to vector<64x2048xf32>
    %swap3A_71 = vector.shape_cast %transpose3A_65 : vector<64x2048xf32> to vector<1x64x2048xf32>
    tpu.vector_store %arg2[%swap3A_66, %swap3A_67, %swap3A_68], %swap3A_71 {strides = array<i32>} : memref<8x64x4096xf32, #tpu.memory_space<vmem>>, vector<1x64x2048xf32>,
    %get3A_72 = arith.constant 8192 : index
    %get3A_73 = arith.constant 0 : index
    %get3A_74 = vector.load %arg1[%get3A_72, %get3A_73] : memref<16384x128xf32, #tpu.memory_space<vmem>>, vector<2048x128xf32>
    %slice3A_75 = vector.extract_strided_slice %get3A_74 {offsets = [0, 0], sizes = [2048, 64], strides = [1, 1]} : vector<2048x128xf32> to vector<2048x64xf32>
    %transpose3A_76 = tpu.transpose %slice3A_75, [1, 0] : vector<2048x64xf32> -> vector<64x2048xf32>
    %swap3A_77 = arith.constant 4 : index
    %swap3A_78 = arith.constant 0 : index
    %swap3A_79 = arith.constant 0 : index
    %swap3A_80 = vector.load %arg2[%swap3A_77, %swap3A_78, %swap3A_79] : memref<8x64x4096xf32, #tpu.memory_space<vmem>>, vector<1x64x2048xf32>
    %swap3A_81 = vector.shape_cast %swap3A_80 : vector<1x64x2048xf32> to vector<64x2048xf32>
    %swap3A_82 = vector.shape_cast %transpose3A_76 : vector<64x2048xf32> to vector<1x64x2048xf32>
    tpu.vector_store %arg2[%swap3A_77, %swap3A_78, %swap3A_79], %swap3A_82 {strides = array<i32>} : memref<8x64x4096xf32, #tpu.memory_space<vmem>>, vector<1x64x2048xf32>,
    %slice3A_83 = vector.extract_strided_slice %get3A_74 {offsets = [0, 64], sizes = [2048, 64], strides = [1, 1]} : vector<2048x128xf32> to vector<2048x64xf32>
    %transpose3A_84 = tpu.transpose %slice3A_83, [1, 0] : vector<2048x64xf32> -> vector<64x2048xf32>
    %swap3A_85 = arith.constant 4 : index
    %swap3A_86 = arith.constant 0 : index
    %swap3A_87 = arith.constant 2048 : index
    %swap3A_88 = vector.load %arg2[%swap3A_85, %swap3A_86, %swap3A_87] : memref<8x64x4096xf32, #tpu.memory_space<vmem>>, vector<1x64x2048xf32>
    %swap3A_89 = vector.shape_cast %swap3A_88 : vector<1x64x2048xf32> to vector<64x2048xf32>
    %swap3A_90 = vector.shape_cast %transpose3A_84 : vector<64x2048xf32> to vector<1x64x2048xf32>
    tpu.vector_store %arg2[%swap3A_85, %swap3A_86, %swap3A_87], %swap3A_90 {strides = array<i32>} : memref<8x64x4096xf32, #tpu.memory_space<vmem>>, vector<1x64x2048xf32>,
    %get3A_91 = arith.constant 10240 : index
    %get3A_92 = arith.constant 0 : index
    %get3A_93 = vector.load %arg1[%get3A_91, %get3A_92] : memref<16384x128xf32, #tpu.memory_space<vmem>>, vector<2048x128xf32>
    %slice3A_94 = vector.extract_strided_slice %get3A_93 {offsets = [0, 0], sizes = [2048, 64], strides = [1, 1]} : vector<2048x128xf32> to vector<2048x64xf32>
    %transpose3A_95 = tpu.transpose %slice3A_94, [1, 0] : vector<2048x64xf32> -> vector<64x2048xf32>
    %swap3A_96 = arith.constant 5 : index
    %swap3A_97 = arith.constant 0 : index
    %swap3A_98 = arith.constant 0 : index
    %swap3A_99 = vector.load %arg2[%swap3A_96, %swap3A_97, %swap3A_98] : memref<8x64x4096xf32, #tpu.memory_space<vmem>>, vector<1x64x2048xf32>
    %swap3A_100 = vector.shape_cast %swap3A_99 : vector<1x64x2048xf32> to vector<64x2048xf32>
    %swap3A_101 = vector.shape_cast %transpose3A_95 : vector<64x2048xf32> to vector<1x64x2048xf32>
    tpu.vector_store %arg2[%swap3A_96, %swap3A_97, %swap3A_98], %swap3A_101 {strides = array<i32>} : memref<8x64x4096xf32, #tpu.memory_space<vmem>>, vector<1x64x2048xf32>,
    %slice3A_102 = vector.extract_strided_slice %get3A_93 {offsets = [0, 64], sizes = [2048, 64], strides = [1, 1]} : vector<2048x128xf32> to vector<2048x64xf32>
    %transpose3A_103 = tpu.transpose %slice3A_102, [1, 0] : vector<2048x64xf32> -> vector<64x2048xf32>
    %swap3A_104 = arith.constant 5 : index
    %swap3A_105 = arith.constant 0 : index
    %swap3A_106 = arith.constant 2048 : index
    %swap3A_107 = vector.load %arg2[%swap3A_104, %swap3A_105, %swap3A_106] : memref<8x64x4096xf32, #tpu.memory_space<vmem>>, vector<1x64x2048xf32>
    %swap3A_108 = vector.shape_cast %swap3A_107 : vector<1x64x2048xf32> to vector<64x2048xf32>
    %swap3A_109 = vector.shape_cast %transpose3A_103 : vector<64x2048xf32> to vector<1x64x2048xf32>
    tpu.vector_store %arg2[%swap3A_104, %swap3A_105, %swap3A_106], %swap3A_109 {strides = array<i32>} : memref<8x64x4096xf32, #tpu.memory_space<vmem>>, vector<1x64x2048xf32>,
    %get3A_110 = arith.constant 12288 : index
    %get3A_111 = arith.constant 0 : index
    %get3A_112 = vector.load %arg1[%get3A_110, %get3A_111] : memref<16384x128xf32, #tpu.memory_space<vmem>>, vector<2048x128xf32>
    %slice3A_113 = vector.extract_strided_slice %get3A_112 {offsets = [0, 0], sizes = [2048, 64], strides = [1, 1]} : vector<2048x128xf32> to vector<2048x64xf32>
    %transpose3A_114 = tpu.transpose %slice3A_113, [1, 0] : vector<2048x64xf32> -> vector<64x2048xf32>
    %swap3A_115 = arith.constant 6 : index
    %swap3A_116 = arith.constant 0 : index
    %swap3A_117 = arith.constant 0 : index
    %swap3A_118 = vector.load %arg2[%swap3A_115, %swap3A_116, %swap3A_117] : memref<8x64x4096xf32, #tpu.memory_space<vmem>>, vector<1x64x2048xf32>
    %swap3A_119 = vector.shape_cast %swap3A_118 : vector<1x64x2048xf32> to vector<64x2048xf32>
    %swap3A_120 = vector.shape_cast %transpose3A_114 : vector<64x2048xf32> to vector<1x64x2048xf32>
    tpu.vector_store %arg2[%swap3A_115, %swap3A_116, %swap3A_117], %swap3A_120 {strides = array<i32>} : memref<8x64x4096xf32, #tpu.memory_space<vmem>>, vector<1x64x2048xf32>,
    %slice3A_121 = vector.extract_strided_slice %get3A_112 {offsets = [0, 64], sizes = [2048, 64], strides = [1, 1]} : vector<2048x128xf32> to vector<2048x64xf32>
    %transpose3A_122 = tpu.transpose %slice3A_121, [1, 0] : vector<2048x64xf32> -> vector<64x2048xf32>
    %swap3A_123 = arith.constant 6 : index
    %swap3A_124 = arith.constant 0 : index
    %swap3A_125 = arith.constant 2048 : index
    %swap3A_126 = vector.load %arg2[%swap3A_123, %swap3A_124, %swap3A_125] : memref<8x64x4096xf32, #tpu.memory_space<vmem>>, vector<1x64x2048xf32>
    %swap3A_127 = vector.shape_cast %swap3A_126 : vector<1x64x2048xf32> to vector<64x2048xf32>
    %swap3A_128 = vector.shape_cast %transpose3A_122 : vector<64x2048xf32> to vector<1x64x2048xf32>
    tpu.vector_store %arg2[%swap3A_123, %swap3A_124, %swap3A_125], %swap3A_128 {strides = array<i32>} : memref<8x64x4096xf32, #tpu.memory_space<vmem>>, vector<1x64x2048xf32>,
    %get3A_129 = arith.constant 14336 : index
    %get3A_130 = arith.constant 0 : index
    %get3A_131 = vector.load %arg1[%get3A_129, %get3A_130] : memref<16384x128xf32, #tpu.memory_space<vmem>>, vector<2048x128xf32>
    %slice3A_132 = vector.extract_strided_slice %get3A_131 {offsets = [0, 0], sizes = [2048, 64], strides = [1, 1]} : vector<2048x128xf32> to vector<2048x64xf32>
    %transpose3A_133 = tpu.transpose %slice3A_132, [1, 0] : vector<2048x64xf32> -> vector<64x2048xf32>
    %swap3A_134 = arith.constant 7 : index
    %swap3A_135 = arith.constant 0 : index
    %swap3A_136 = arith.constant 0 : index
    %swap3A_137 = vector.load %arg2[%swap3A_134, %swap3A_135, %swap3A_136] : memref<8x64x4096xf32, #tpu.memory_space<vmem>>, vector<1x64x2048xf32>
    %swap3A_138 = vector.shape_cast %swap3A_137 : vector<1x64x2048xf32> to vector<64x2048xf32>
    %swap3A_139 = vector.shape_cast %transpose3A_133 : vector<64x2048xf32> to vector<1x64x2048xf32>
    tpu.vector_store %arg2[%swap3A_134, %swap3A_135, %swap3A_136], %swap3A_139 {strides = array<i32>} : memref<8x64x4096xf32, #tpu.memory_space<vmem>>, vector<1x64x2048xf32>,
    %slice3A_140 = vector.extract_strided_slice %get3A_131 {offsets = [0, 64], sizes = [2048, 64], strides = [1, 1]} : vector<2048x128xf32> to vector<2048x64xf32>
    %transpose3A_141 = tpu.transpose %slice3A_140, [1, 0] : vector<2048x64xf32> -> vector<64x2048xf32>
    %swap3A_142 = arith.constant 7 : index
    %swap3A_143 = arith.constant 0 : index
    %swap3A_144 = arith.constant 2048 : index
    %swap3A_145 = vector.load %arg2[%swap3A_142, %swap3A_143, %swap3A_144] : memref<8x64x4096xf32, #tpu.memory_space<vmem>>, vector<1x64x2048xf32>
    %swap3A_146 = vector.shape_cast %swap3A_145 : vector<1x64x2048xf32> to vector<64x2048xf32>
    %swap3A_147 = vector.shape_cast %transpose3A_141 : vector<64x2048xf32> to vector<1x64x2048xf32>
    tpu.vector_store %arg2[%swap3A_142, %swap3A_143, %swap3A_144], %swap3A_147 {strides = array<i32>} : memref<8x64x4096xf32, #tpu.memory_space<vmem>>, vector<1x64x2048xf32>,
    return
  }
  func.func @transform_0(%arg0: i32) -> (i32, i32) {
    %c0_i32 = arith.constant 0 : i32
    %c0_i32_0 = arith.constant 0 : i32
    return %arg0, %c0_i32 : i32, i32
  }
  func.func @transform_1(%arg0: i32) -> (i32, i32, i32) {
    %c0_i32 = arith.constant 0 : i32
    %c0_i32_0 = arith.constant 0 : i32
    %c0_i32_1 = arith.constant 0 : i32
    return %arg0, %c0_i32, %c0_i32_0 : i32, i32, i32
  }
}

</mosaic_0001>

<sc_bundles>
// kernel: kernel.5.cloned.1.call-start
scs
__scs_entry_jumppad:
0x0: {  	(pc) =	sbr.rel $0x88, $3  }
0x1: {  	(tag) =	ssettag $0x0;
	lr =	simm.s32 $0x1  }
0x2: {  	[smem:$0x3F9F] =	sst lr;
	_ =	strace $0xD0000000  }
0x3: {  	_ = 	snop  }
0x4: {  	_ = 	snop  }
0x5: {  	_ = 	snop  }
0x6: {  	_ = 	snop  }
0x7: {  	_ = 	snop  }
__scs_overlays_trampoline_lowered:
0x8: {  	[smem:$0x3FAE] =	sst s0  }
0x9: {  	[smem:$0x3FAF] =	sst s1  }
0xa: {  	[smem:$0x3FB0] =	sst s2  }
0xb: {  	[smem:$0x3FB1] =	sst s3  }
0xc: {  	[smem:$0x3FB2] =	sst s4  }
0xd: {  	[smem:$0x3FB3] =	sst s5  }
0xe: {  	[smem:$0x3FB4] =	sst s6  }
0xf: {  	[smem:$0x3FB5] =	sst s7  }
0x10: {  	[smem:$0x3FB6] =	sst s8  }
0x11: {  	[smem:$0x3FB7] =	sst s9;
	s0 =	simm.s32 @!p0 $0x0  }
0x12: {  	s1 =	sld [smem:$0x3F9D];
	s0 =	simm.s32 @p0 $0x1  }
0x13: {  	[smem:$0x3FB8] =	sst s0;
	s0 =	simm.s32 @!p1 $0x0  }
0x14: {  	s2 =	sld [smem:$0x3F9C];
	s0 =	simm.s32 @p1 $0x1  }
0x15: {  	[smem:$0x3FB9] =	sst s0;
	s0 =	simm.s32 @!p2 $0x0  }
0x16: {  	s3 =	sld [smem:$0x3FDB];
	s0 =	simm.s32 @p2 $0x1  }
0x17: {  	s4 =	simm.s32 $0x1BF5;
	[smem:$0x3FBB] =	sst s0  }
0x18: {  	s0 =	sld [smem:$0x3F9E];
	_ =	swait.ge [sflag:s4], $0x0  }
0x19: {  	s7 =	sld [smem:$0x3F9F]  }
0x1a: {  	s8 =	sadd.s32 $0xFFFFE003, lr  }
0x1b: {  	s9 =	sadd.s32 $0xFFFFFEF7, lr;
	s5 =	simm.s32 $0xFFFFFFFF;
	p2 =	slt.u32 s8, $0xFFFFF086  }
0x1c: {  	p1 =	slt.u32 s9, $0xF7A;
	s5 =	simm.s32 @!p2 $0x0  }
0x1d: {  	s5 =	simm.s32 @p1 $0x1;
	p0 =	seq.s32 s7, s2  }
0x1e: {  	s7 =	smul.u32 @!p0 $0xF7A, s2;
	p2 =	seq.s32 @!p0 s5, $0x0  }
0x1f: {  	s9 =	smul.u32 $0xF7A, s1;
	s8 =	simm.s32 @!p0 $0x1BF5;
	p2 =	por !p2, p0  }
0x20: {  	[sflag:s8] =	ssyncset.s32 @!p0 $0xFFFFF086;
	s6 =	sadd.s32 @!p0 s3, s7;
	s7 =	simm.s32 @!p0 $0x108  }
0x21: {  	s3 =	sadd.s32 s3, s9;
	s6 =	sadd.s32 @!p0 $0x88, s6;
	s7 =	simm.s32 @p2 $0x1082  }
0x22: {  	[simem:s7], [sflag:s8] =	dma.local @!p0 [hbm:s6], $0xF7A  }
0x23: {  	s9 =	sor.u32 $0xD0000000, s2;
	s6 =	simm.s32 $0x108;
	_ =	swait.ge @!p0 [sflag:s8], $0x0  }
0x24: {  	s3 =	sadd.s32 $0x88, s3;
	s6 =	simm.s32 @!p1 $0x1082;
	[sflag:s4] =	ssyncset.s32 $0xFFFFF086  }
0x25: {  	[simem:s6], [sflag:s4] =	dma.local [hbm:s3], $0xF7A  }
0x26: {  	[smem:$0x3F9F] =	sst s1;
	(tag) =	ssettag s2;
	_ =	strace s9  }
0x27: {  	s1 =	sld [smem:$0x3FAF]  }
0x28: {  	s2 =	sld [smem:$0x3FB0]  }
0x29: {  	s4 =	sld [smem:$0x3FB2]  }
0x2a: {  	p0 =	seq.s32 s5, $0x0;
	s5 =	sld [smem:$0x3FB3]  }
0x2b: {  	s6 =	sld [smem:$0x3FB4]  }
0x2c: {  	s7 =	sld [smem:$0x3FB5]  }
0x2d: {  	s3 =	simm.s32 $0x108;
	s8 =	sld [smem:$0x3FB6]  }
0x2e: {  	s3 =	simm.s32 @!p0 $0x1082;
	s9 =	sld [smem:$0x3FB7]  }
0x2f: {  	lr =	sadd.s32 s0, s3;
	s0 =	sld [smem:$0x3FAE]  }
0x30: {  	s3 =	sld [smem:$0x3FB1]  }
0x31: {  	[smem:$0x3FBA] =	sst s10  }
0x32: {  	s10 =	sld [smem:$0x3FB8];
	_ =	sdelay $0x3  }
0x33: {  	p0 =	seq.s32 s10, $0x1;
	s10 =	sld [smem:$0x3FBA];
	_ =	sdelay $0x3  }
0x34: {  	[smem:$0x3FBA] =	sst s10  }
0x35: {  	s10 =	sld [smem:$0x3FB9];
	_ =	sdelay $0x3  }
0x36: {  	p1 =	seq.s32 s10, $0x1;
	s10 =	sld [smem:$0x3FBA];
	_ =	sdelay $0x3  }
0x37: {  	[smem:$0x3FBA] =	sst s10  }
0x38: {  	s10 =	sld [smem:$0x3FBB]  }
0x39: {  	_ = 	snop;
	(pc) =	sbr.ind lr, $3  }
0x3a: {  	_ = 	snop  }
0x3b: {  	_ = 	snop  }
0x3c: {  	p2 =	seq.s32 s10, $0x1;
	s10 =	sld [smem:$0x3FBA]  }
0x3d: {  	_ =	shalt  }
0x3e: {  	_ =	shalt  }
0x3f: {  	_ =	shalt  }
0x40: {  	_ =	shalt  }
0x41: {  	_ =	shalt  }
0x42: {  	_ =	shalt  }
0x43: {  	_ =	shalt  }
0x44: {  	_ =	shalt  }
0x45: {  	_ =	shalt  }
0x46: {  	_ =	shalt  }
0x47: {  	_ =	shalt  }
0x48: {  	_ =	shalt  }
0x49: {  	_ =	shalt  }
0x4a: {  	_ =	shalt  }
0x4b: {  	_ =	shalt  }
0x4c: {  	_ =	shalt  }
0x4d: {  	_ =	shalt  }
0x4e: {  	_ =	shalt  }
0x4f: {  	_ =	shalt  }
0x50: {  	_ =	shalt  }
0x51: {  	_ =	shalt  }
0x52: {  	_ =	shalt  }
0x53: {  	_ =	shalt  }
0x54: {  	_ =	shalt  }
0x55: {  	_ =	shalt  }
0x56: {  	_ =	shalt  }
0x57: {  	_ =	shalt  }
0x58: {  	_ =	shalt  }
0x59: {  	_ =	shalt  }
0x5a: {  	_ =	shalt  }
0x5b: {  	_ =	shalt  }
0x5c: {  	_ =	shalt  }
0x5d: {  	_ =	shalt  }
0x5e: {  	_ =	shalt  }
0x5f: {  	_ =	shalt  }
0x60: {  	_ =	shalt  }
0x61: {  	_ =	shalt  }
0x62: {  	_ =	shalt  }
0x63: {  	_ =	shalt  }
0x64: {  	_ =	shalt  }
0x65: {  	_ =	shalt  }
0x66: {  	_ =	shalt  }
0x67: {  	_ =	shalt  }
0x68: {  	_ =	shalt  }
0x69: {  	_ =	shalt  }
0x6a: {  	_ =	shalt  }
0x6b: {  	_ =	shalt  }
0x6c: {  	_ =	shalt  }
0x6d: {  	_ =	shalt  }
0x6e: {  	_ =	shalt  }
0x6f: {  	_ =	shalt  }
0x70: {  	_ =	shalt  }
0x71: {  	_ =	shalt  }
0x72: {  	_ =	shalt  }
0x73: {  	_ =	shalt  }
0x74: {  	_ =	shalt  }
0x75: {  	_ =	shalt  }
0x76: {  	_ =	shalt  }
0x77: {  	_ =	shalt  }
0x78: {  	_ =	shalt  }
0x79: {  	_ =	shalt  }
0x7a: {  	_ =	shalt  }
0x7b: {  	_ =	shalt  }
0x7c: {  	_ =	shalt  }
0x7d: {  	_ =	shalt  }
0x7e: {  	_ =	shalt  }
0x7f: {  	_ =	shalt  }
0x80: {  	_ =	shalt  }
0x81: {  	_ =	shalt  }
0x82: {  	_ =	shalt  }
0x83: {  	_ =	shalt  }
0x84: {  	_ =	shalt  }
0x85: {  	_ =	shalt  }
0x86: {  	_ =	shalt  }
0x87: {  	_ =	shalt  }
.Lfunc_end0:
.L_simem_size_0:
called_computation_lowered:
.L_overlay_start_0:
0x88: {  	s2 =	sld [smem:$0x3FD9]  }
0x89: {  	s3 =	sld [smem:$0x3FFE];
	_ =	sdelay $0x1  }
0x8a: {  	s1 =	srdreg.scid  }
0x8b: {  	s0 =	sand.u32 $0x1, s1  }
0x8c: {  	s17 =	sshll.u32 s0, $0xA;
	s2 =	sadd.s32 s3, s2  }
0x8d: {  	s2 =	sadd.s32 s2, s17  }
0x8e: {  	[smem:$0x3FC6] =	sst s2  }
0x8f: {  	_ = 	snop  }
0x90: {  	s2 =	sld [smem:$0x3FD0];
	(tm) =	ssettm $0x1  }
0x91: {  	s18 =	sld [smem:$0x3FFB];
	_ =	sdelay $0x3  }
0x92: {  	_ =	strace s18  }
0x93: {  	s3 =	sld [smem:$0x3FFC];
	_ =	sdelay $0x3  }
0x94: {  	_ =	strace s3  }
0x95: {  	s3 =	sld [smem:$0x3FFD];
	_ =	sdelay $0x3  }
0x96: {  	_ =	strace s3  }
0x97: {  	_ =	strace $0x8FFFFFFF  }
0x98: {  	s19 =	sld [smem:$0x3FDB];
	_ =	sdelay $0x1  }
0x99: {  	s4 =	simm.s32 $_scs_section_size  }
0x9a: {  	s5 =	simm.s32 $_size__tile_overlayer_lowered;
	s6 =	simm.s32 $_tile_overlayer_lowered  }
0x9b: {  	s22 =	simm.s32 $0x1BFF;
	s21 =	sshll.u32 s6, $0x1;
	s3 =	sadd.s32 s4, s19  }
0x9c: {  	s7 =	simm.s32 $0x0;
	s20 =	sshll.u32 s5, $0x1;
	s5 =	sadd.s32 s21, s3  }
0x9d: {  	[timem:s7], [sflag:s22] =	dma.local [hbm:s5], s20  }
0x9e: {  	_ =	swait.ge [sflag:s22], s20  }
0x9f: {  	s4 =	ssub.s32 $0x0, s20;
	[sflag:s22] =	ssyncset.done $0x0  }
0xa0: {  	[sflag:s22] =	ssyncadd.s32 s4;
	_ =	sdelay $0x1  }
0xa1: {  	s23 =	simm.s32 $0x1B8B  }
0xa2: {  	_ =	swait.ge [sflag:s23], $0x1  }
0xa3: {  	[sflag:s23] =	ssyncset.done $0x0  }
0xa4: {  	s25 =	simm.s32 $0x1B8E;
	s24 =	sld [smem:$0x3FFE];
	[sflag:s23] =	ssyncadd.s32 $0xFFFFFFFF  }
0xa5: {  	s26 =	simm.s32 $execute0_lowered;
	[smem:$0x3FD2] =	sst s25  }
0xa6: {  	s5 =	sshll.u32 s26, $0x1;
	_ =	strace $0x80000046;
	[dreg:$0x1] =	wrdreg $0xFFFFFFFF  }
0xa7: {  	s28 =	simm.s32 $_size_execute0_lowered;
	s3 =	sadd.s32 s3, s5;
	[dreg:$0x0] =	wrdreg $0x0  }
0xa8: {  	s5 =	sshll.u32 s28, $0x1;
	[dreg:$0x2] =	wrdreg s3  }
0xa9: {  	[dreg:$0x3] =	wrdreg s5  }
0xaa: {  	[dreg:$0x4] =	wrdreg $0xC0  }
0xab: {  	_ =	task [dreg:s7], $0x5FFFF  }
0xac: {  	[dreg:$0x1] =	wrdreg $0xFFFFFFFF  }
0xad: {  	[dreg:$0x0] =	wrdreg $0x60  }
0xae: {  	[dreg:$0x2] =	wrdreg s24  }
0xaf: {  	[dreg:$0x3] =	wrdreg s2  }
0xb0: {  	[dreg:$0x4] =	wrdreg $0x9  }
0xb1: {  	_ =	task.clear_ibuf [dreg:s7], $0x5FFFF;
	_ =	strace $0x90000046  }
0xb2: {  	s29 =	simm.s32 $0x9;
	_ =	strace $0x80000048  }
0xb3: {  	_ =	swait.ge [sflag:s29], $0x1  }
0xb4: {  	[sflag:s29] =	ssyncadd.s32 $0xFFFFFFFF  }
0xb5: {  	_ =	strace $0x90000048  }
0xb6: {  	_ =	sfence  }
0xb7: {  	s30 =	sld [smem:$0x0];
	_ =	sdelay $0x2  }
0xb8: {  	s31 =	sshll.u32 s1, $0xD;
	s1 =	sshrl.u32 s1, $0x2  }
0xb9: {  	s3 =	sand.u32 $0x4000, s31;
	s1 =	sadd.s32 s1, s30  }
0xba: {  	s0 =	sor.u32 s3, s0;
	s1 =	sshll.u32 s1, $0x11  }
0xbb: {  	s0 =	sor.u32 s1, s0  }
0xbc: {  	s0 =	sadd.s32 $0x8F2B, s0  }
0xbd: {  	[sflag:s0] =	ssyncadd.remote.s32 $0x1  }
0xbe: {  	_ =	sfence.sel $0xFFFF  }
0xbf: {  	[dreg:$0x0] =	wrdreg $0xFFFFFFFF;
	(pc) =	sbr.abs _section_cstart, $3  }
0xc0: {  	[dreg:$0x1] =	wrdreg $0xFFFFFFFF  }
0xc1: {  	_ =	task.clear_ibuf [dreg:s7], $0x2FFFF;
	_ =	strace $0x9FFFFFFF  }
0xc2: {  	(tm) =	ssettm $0x7FFFFFFF  }
0xc3: {  	_ =	shalt  }
tec
execute0_lowered:
.L_overlay_start_1:
0x0: {  	(tag) =	ssettag $0x1  }
0x1: {  	s0 =	srdreg.scid;
	s2 =	rddreg [dreg:$0x0]  }
0x2: {  	s3 =	stileid.u32;
	s5 =	rddreg [dreg:$0x1];
	s4 =	simm.s32 $0x0  }
0x3: {  	s14 =	simm.s32 $0x80;
	s15 =	simm.s32 $0x6400;
	s29 =	simm.s32 $0x10400  }
0x4: {  	s30 =	simm.s32 $0x12400;
	s31 =	simm.s32 $0x14400;
	s21 =	simm.s32 $0xE400  }
0x5: {  	s22 =	simm.s32 $0x1;
	s28 =	simm.s32 $0x0;
	s0 =	sand.u32 $0x1, s0  }
0x6: {  	s1 =	sshll.u32 s3, $0x1;
	s7 =	smul.u32 $0xC800, s3;
	[smem:$0x7FF] =	sst s4  }
0x7: {  	s9 =	smul.u32 $0x190, s3;
	s3 =	sadd.s32 $0x400, s2;
	s4 =	sadd.s32 $0x7C0400, s2  }
0x8: {  	s1 =	sor.u32 s0, s1;
	s8 =	smul.u32 $0x6400, s0;
	_ =	strace $0x80000047  }
0x9: {  	s6 =	ssub.s32 $0x2, s0;
	[dreg:$0x3] =	wrdreg s29;
	s1 =	smul.u32 $0xC80, s1  }
0xa: {  	s0 =	smul.u32 $0xC8, s0;
	[dreg:$0x4] =	wrdreg s30;
	s10 =	sshrl.u32 s6, $0x1  }
0xb: {  	[dreg:$0x5] =	wrdreg s31;
	s23 =	ssub.s32 s6, s10;
	s1 =	sadd.s32 s5, s1  }
0xc: {  	s7 =	sadd.s32 s8, s7;
	s24 =	smax.u32 s23, $0x1;
	[dreg:$0x6] =	wrdreg s1  }
0xd: {  	s0 =	sadd.s32 s0, s9;
	s25 =	sshrl.u32 s7, $0x1;
	[dreg:$0x7] =	wrdreg s24  }
0xe: {  	s26 =	sshrl.u32 s7, $0x5;
	s0 =	sor.u32 $0x4, s0;
	[dreg:$0x8] =	wrdreg s25  }
0xf: {  	s23 =	simm.s32 $0x40;
	[dreg:$0x9] =	wrdreg s26;
	s10 =	sshll.u32 s0, $0x2  }
0x10: {  	s11 =	sshll.u32 s0, $0xD;
	s12 =	sshll.u32 s0, $0xE;
	s24 =	simm.s32 $0x2  }
.LBB2_1:
0x11: {  	s0 =	simm.s32 $0x0;
	s1 =	rddreg [dreg:$0x6];
	s19 =	simm.s32 $0x5  }
0x12: {  	[tilespmem:s0], [sflag:$0x5] =	stream.linear.gather [hbm4b:s1+s0], $0x6400, $0x38;
	[tilespmem:$0x16400] =	vst v63  }
0x13: {  	_ =	swait.ge [sflag:s19], $0x6400  }
0x14: {  	[sflag:s19] =	ssyncset.done $0x0  }
0x15: {  	[sflag:s19] =	ssyncadd.s32 $0xFFFF9C00  }
0x16: {  	[tilespmem:s15], [sflag:$0x1] =	stream.indirect.gather [hbm4b:s3+s14], $0x40, s0, s14, $0xb8;
	[tilespmem:$0x16400] =	vst v63  }
0x17: {  	s20 =	simm.s32 $0x8400  }
0x18: {  	[tilespmem:s20], [sflag:$0x1] =	stream.indirect.gather [hbm4b:s3+s14], $0x40, s14, s14, $0xb8;
	[tilespmem:$0x16400] =	vst v63  }
0x19: {  	s25 =	simm.s32 $0x100;
	s26 =	simm.s32 $0xA400;
	p0 =	por $0x1, $0x1  }
0x1a: {  	[tilespmem:s26], [sflag:$0x1] =	stream.indirect.gather [hbm4b:s3+s14], $0x40, s25, s14, $0xb8;
	[tilespmem:$0x16400] =	vst v63  }
0x1b: {  	s2 =	simm.s32 $0xC400;
	s1 =	simm.s32 $0x180;
	s0 =	simm.s32 @!p0 $0x4  }
0x1c: {  	[tilespmem:s2], [sflag:$0x1] =	stream.indirect.gather [hbm4b:s3+s14], $0x40, s1, s14, $0xb8;
	[tilespmem:$0x16400] =	vst v63  }
0x1d: {  	_ =	swait.ge @!p0 [sflag:s0], $0x8000  }
0x1e: {  	[sflag:s0] =	ssyncset.done @!p0 $0x0  }
0x1f: {  	s5 =	simm.s32 $0x200;
	[sflag:s0] =	ssyncadd.s32 @!p0 $0xFFFF8000  }
0x20: {  	[tilespmem:s21], [sflag:$0x2] =	stream.indirect.gather [hbm4b:s3+s14], $0x40, s5, s14, $0xb8;
	[tilespmem:$0x16400] =	vst v63  }
0x21: {  	s6 =	simm.s32 $0x280;
	s2 =	rddreg [dreg:$0x3]  }
0x22: {  	[tilespmem:s2], [sflag:$0x2] =	stream.indirect.gather [hbm4b:s3+s14], $0x40, s6, s14, $0xb8;
	[tilespmem:$0x16400] =	vst v63  }
0x23: {  	s9 =	simm.s32 $0x300;
	s8 =	rddreg [dreg:$0x4]  }
0x24: {  	[tilespmem:s8], [sflag:$0x2] =	stream.indirect.gather [hbm4b:s3+s14], $0x40, s9, s14, $0xb8;
	[tilespmem:$0x16400] =	vst v63  }
0x25: {  	s16 =	simm.s32 $0x380;
	s13 =	rddreg [dreg:$0x5]  }
0x26: {  	[tilespmem:s13], [sflag:$0x2] =	stream.indirect.gather [hbm4b:s3+s14], $0x40, s16, s14, $0xb8;
	[tilespmem:$0x16400] =	vst v63  }
0x27: {  	_ =	swait.ge [sflag:s22], $0x2000  }
0x28: {  	[sflag:s22] =	ssyncset.done $0x0  }
0x29: {  	[sflag:s22] =	ssyncadd.s32 $0xFFFFE000  }
0x2a: {  	_ =	swait.ge [sflag:s22], $0x2000  }
0x2b: {  	[sflag:s22] =	ssyncset.done $0x0  }
0x2c: {  	s6 =	rddreg [dreg:$0x8];
	[sflag:s22] =	ssyncadd.s32 $0xFFFFE000  }
0x2d: {  	s18 =	sand.u32 $0x400, s7;
	s17 =	sand.u32 $0x1FFF800, s6;
	_ =	swait.ge [sflag:s22], $0x2000  }
0x2e: {  	s0 =	sor.u32 s18, s17;
	[sflag:s22] =	ssyncset.done $0x0;
	s8 =	rddreg [dreg:$0x9]  }
0x2f: {  	s0 =	sshll.u32 s0, $0x7;
	s19 =	sand.u32 $0x40, s8;
	[sflag:s22] =	ssyncadd.s32 $0xFFFFE000  }
0x30: {  	s0 =	sor.u32 s19, s0;
	_ =	swait.ge [sflag:s22], $0x2000  }
0x31: {  	p0 =	por $0x0, $0x0;
	s0 =	sshrl.u32 s0, $0x3;
	[sflag:s22] =	ssyncset.done $0x0  }
0x32: {  	s1 =	simm.s32 @!p0 $0x3;
	s0 =	sadd.s32 s4, s0;
	[sflag:s22] =	ssyncadd.s32 $0xFFFFE000  }
0x33: {  	[hbm4b:s0+s23] =	stream.strided.scatter [tilespmem:s15], [sflag:$0x3], $0x8000, s14, s23, $0x38;
	[tilespmem:$0x16400] =	vst v63  }
0x34: {  	_ =	swait.ge @!p0 [sflag:s1], $0x8000  }
0x35: {  	s5 =	simm.s32 @!p0 $0x6400;
	[sflag:s1] =	ssyncset.done @!p0 $0x0  }
0x36: {  	s2 =	simm.s32 @!p0 $0x80;
	s0 =	simm.s32 @!p0 $0x400;
	[sflag:s1] =	ssyncadd.s32 @!p0 $0xFFFF8000  }
0x37: {  	[tilespmem:s5], [sflag:$0x1] =	stream.indirect.gather @!p0 [hbm4b:s3+s2], $0x40, s0, s2, $0xb8;
	[tilespmem:$0x16400] =	vst v63  }
0x38: {  	s1 =	simm.s32 @!p0 $0x8400;
	s0 =	simm.s32 @!p0 $0x480  }
0x39: {  	[tilespmem:s1], [sflag:$0x1] =	stream.indirect.gather @!p0 [hbm4b:s3+s2], $0x40, s0, s2, $0xb8;
	[tilespmem:$0x16400] =	vst v63  }
0x3a: {  	s0 =	simm.s32 @!p0 $0x500;
	s1 =	simm.s32 @!p0 $0xA400  }
0x3b: {  	[tilespmem:s1], [sflag:$0x1] =	stream.indirect.gather @!p0 [hbm4b:s3+s2], $0x40, s0, s2, $0xb8;
	[tilespmem:$0x16400] =	vst v63  }
0x3c: {  	s0 =	simm.s32 @!p0 $0x580;
	s1 =	simm.s32 @!p0 $0xC400  }
0x3d: {  	[tilespmem:s1], [sflag:$0x1] =	stream.indirect.gather @!p0 [hbm4b:s3+s2], $0x40, s0, s2, $0xb8;
	[tilespmem:$0x16400] =	vst v63  }
0x3e: {  	_ =	swait.ge [sflag:s24], $0x2000  }
0x3f: {  	[sflag:s24] =	ssyncset.done $0x0  }
0x40: {  	s29 =	sadd.s32 $0x10000, s11;
	[sflag:s24] =	ssyncadd.s32 $0xFFFFE000  }
0x41: {  	s30 =	sadd.s32 $0x20000, s12;
	s31 =	sadd.s32 $0x20, s10;
	_ =	swait.ge [sflag:s24], $0x2000  }
0x42: {  	p1 =	por $0x0, $0x0;
	s20 =	sand.u32 $0x7FFC0000, s11;
	[sflag:s24] =	ssyncset.done $0x0  }
0x43: {  	s25 =	sand.u32 $0x30000, s12;
	s26 =	sand.u32 $0x40, s10;
	[sflag:s24] =	ssyncadd.s32 $0xFFFFE000  }
0x44: {  	s16 =	sadd.s32 $0x400, s7;
	s18 =	simm.s32 $0x2000;
	_ =	swait.ge [sflag:s24], $0x2000  }
0x45: {  	s17 =	sadd.s32 $0x200, s6;
	s2 =	sor.u32 s25, s20;
	[sflag:s24] =	ssyncset.done $0x0  }
0x46: {  	s1 =	simm.s32 $0x1000;
	s2 =	sor.u32 s26, s2;
	[sflag:s24] =	ssyncadd.s32 $0xFFFFE000  }
0x47: {  	s0 =	sadd.s32 $0x20, s8;
	s2 =	sshrl.u32 s2, $0x3;
	_ =	swait.ge [sflag:s24], $0x2000  }
.LBB2_2:
0x48: {  	[sflag:s24] =	ssyncset.done $0x0  }
0x49: {  	s19 =	simm.s32 @!p1 $0x4;
	s2 =	sadd.s32 s4, s2;
	[sflag:s24] =	ssyncadd.s32 $0xFFFFE000  }
0x4a: {  	[hbm4b:s2+s23] =	stream.strided.scatter [tilespmem:s21], [sflag:$0x4], $0x8000, s14, s23, $0x38;
	[tilespmem:$0x16400] =	vst v63  }
0x4b: {  	_ =	swait.ge @!p1 [sflag:s19], $0x8000  }
0x4c: {  	s6 =	sshra.s32 s1, $0x2;
	[sflag:s19] =	ssyncset.done @!p1 $0x0  }
0x4d: {  	s26 =	sadd.s32 $0x200, s6;
	[sflag:s19] =	ssyncadd.s32 @!p1 $0xFFFF8000  }
0x4e: {  	[tilespmem:s21], [sflag:$0x2] =	stream.indirect.gather [hbm4b:s3+s14], $0x40, s26, s14, $0xb8;
	[tilespmem:$0x16400] =	vst v63  }
0x4f: {  	s25 =	sadd.s32 $0x280, s6;
	s13 =	rddreg [dreg:$0x3]  }
0x50: {  	[tilespmem:s13], [sflag:$0x2] =	stream.indirect.gather [hbm4b:s3+s14], $0x40, s25, s14, $0xb8;
	[tilespmem:$0x16400] =	vst v63  }
0x51: {  	s8 =	sadd.s32 $0x300, s6;
	s26 =	rddreg [dreg:$0x4]  }
0x52: {  	[tilespmem:s26], [sflag:$0x2] =	stream.indirect.gather [hbm4b:s3+s14], $0x40, s8, s14, $0xb8;
	[tilespmem:$0x16400] =	vst v63  }
0x53: {  	s6 =	sadd.s32 $0x380, s6;
	s9 =	rddreg [dreg:$0x5]  }
0x54: {  	[tilespmem:s9], [sflag:$0x2] =	stream.indirect.gather [hbm4b:s3+s14], $0x40, s6, s14, $0xb8;
	[tilespmem:$0x16400] =	vst v63  }
0x55: {  	_ =	swait.ge [sflag:s22], $0x2000  }
0x56: {  	[sflag:s22] =	ssyncset.done $0x0  }
0x57: {  	[sflag:s22] =	ssyncadd.s32 $0xFFFFE000  }
0x58: {  	_ =	swait.ge [sflag:s22], $0x2000  }
0x59: {  	[sflag:s22] =	ssyncset.done $0x0  }
0x5a: {  	[sflag:s22] =	ssyncadd.s32 $0xFFFFE000  }
0x5b: {  	s26 =	sand.u32 $0x1FFF800, s17;
	s8 =	sand.u32 $0x400, s16;
	_ =	swait.ge [sflag:s22], $0x2000  }
0x5c: {  	s6 =	sor.u32 s8, s26;
	[sflag:s22] =	ssyncset.done $0x0  }
0x5d: {  	s9 =	sand.u32 $0x40, s0;
	s6 =	sshll.u32 s6, $0x7;
	[sflag:s22] =	ssyncadd.s32 $0xFFFFE000  }
0x5e: {  	s6 =	sor.u32 s9, s6;
	_ =	swait.ge [sflag:s22], $0x2000  }
0x5f: {  	p1 =	seq.s32 s1, $0x18000;
	s6 =	sshrl.u32 s6, $0x3;
	[sflag:s22] =	ssyncset.done $0x0  }
0x60: {  	s13 =	simm.s32 @!p1 $0x3;
	s6 =	sadd.s32 s4, s6;
	[sflag:s22] =	ssyncadd.s32 $0xFFFFE000  }
0x61: {  	[hbm4b:s6+s23] =	stream.strided.scatter [tilespmem:s15], [sflag:$0x3], $0x8000, s14, s23, $0x38;
	[tilespmem:$0x16400] =	vst v63  }
0x62: {  	_ =	swait.ge @!p1 [sflag:s13], $0x8000  }
0x63: {  	s1 =	sshra.s32 @!p1 s1, $0x2;
	s26 =	simm.s32 @!p1 $0x80;
	[sflag:s13] =	ssyncset.done @!p1 $0x0  }
0x64: {  	s8 =	simm.s32 @!p1 $0x6400;
	s6 =	sadd.s32 @!p1 $0x400, s1;
	[sflag:s13] =	ssyncadd.s32 @!p1 $0xFFFF8000  }
0x65: {  	[tilespmem:s8], [sflag:$0x1] =	stream.indirect.gather @!p1 [hbm4b:s3+s26], $0x40, s6, s26, $0xb8;
	[tilespmem:$0x16400] =	vst v63  }
0x66: {  	s25 =	sadd.s32 @!p1 $0x480, s1;
	s13 =	simm.s32 @!p1 $0x8400  }
0x67: {  	[tilespmem:s13], [sflag:$0x1] =	stream.indirect.gather @!p1 [hbm4b:s3+s26], $0x40, s25, s26, $0xb8;
	[tilespmem:$0x16400] =	vst v63  }
0x68: {  	s5 =	smov.u32 s18;
	s9 =	sadd.s32 @!p1 $0x500, s1;
	s6 =	simm.s32 @!p1 $0xA400  }
0x69: {  	[tilespmem:s6], [sflag:$0x1] =	stream.indirect.gather @!p1 [hbm4b:s3+s26], $0x40, s9, s26, $0xb8;
	[tilespmem:$0x16400] =	vst v63  }
0x6a: {  	s8 =	sadd.s32 @!p1 $0x580, s1;
	s1 =	smov.u32 s5;
	s5 =	simm.s32 @!p1 $0xC400  }
0x6b: {  	[tilespmem:s5], [sflag:$0x1] =	stream.indirect.gather @!p1 [hbm4b:s3+s26], $0x40, s8, s26, $0xb8;
	[tilespmem:$0x16400] =	vst v63  }
0x6c: {  	s18 =	sadd.s32 $0x1000, s18;
	_ =	swait.ge [sflag:s24], $0x2000  }
0x6d: {  	s20 =	smov.u32 s30;
	s30 =	sadd.s32 $0x20000, s30;
	[sflag:s24] =	ssyncset.done $0x0  }
0x6e: {  	p0 =	sne.s32 s18, $0x19000;
	s2 =	smov.u32 s31;
	[sflag:s24] =	ssyncadd.s32 $0xFFFFE000  }
0x6f: {  	s31 =	sadd.s32 $0x20, s31;
	s2 =	sand.u32 $0x40, s2;
	_ =	swait.ge [sflag:s24], $0x2000  }
0x70: {  	s19 =	smov.u32 s29;
	s29 =	sadd.s32 $0x10000, s29;
	[sflag:s24] =	ssyncset.done $0x0  }
.Ltmp0:
0x71: {  	s16 =	sadd.s32 $0x400, s16;
	[sflag:s24] =	ssyncadd.s32 $0xFFFFE000;
	(pc) =	sbr.rel @p0 .LBB2_2-.Ltmp0, $4  }
0x72: {  	s25 =	sand.u32 $0x7FFC0000, s19;
	s26 =	sand.u32 $0x30000, s20;
	_ =	swait.ge [sflag:s24], $0x2000  }
0x73: {  	s17 =	sadd.s32 $0x200, s17;
	s5 =	sor.u32 s26, s25;
	[sflag:s24] =	ssyncset.done $0x0  }
0x74: {  	s0 =	sadd.s32 $0x20, s0;
	s2 =	sor.u32 s2, s5;
	[sflag:s24] =	ssyncadd.s32 $0xFFFFE000  }
0x75: {  	p1 =	seq.s32 s1, $0x0;
	s2 =	sshrl.u32 s2, $0x3;
	_ =	swait.ge [sflag:s24], $0x2000  }
0x76: {  	[sflag:s24] =	ssyncset.done $0x0  }
0x77: {  	s5 =	simm.s32 @!p1 $0x4;
	s2 =	sadd.s32 s4, s2;
	[sflag:s24] =	ssyncadd.s32 $0xFFFFE000  }
0x78: {  	[hbm4b:s2+s23] =	stream.strided.scatter [tilespmem:s21], [sflag:$0x4], $0x8000, s14, s23, $0x38;
	[tilespmem:$0x16400] =	vst v63  }
0x79: {  	_ =	swait.ge @!p1 [sflag:s5], $0x8000  }
0x7a: {  	s20 =	sshra.s32 s1, $0x2;
	[sflag:s5] =	ssyncset.done @!p1 $0x0  }
0x7b: {  	s6 =	sadd.s32 $0x200, s20;
	[sflag:s5] =	ssyncadd.s32 @!p1 $0xFFFF8000  }
0x7c: {  	[tilespmem:s21], [sflag:$0x2] =	stream.indirect.gather [hbm4b:s3+s14], $0x40, s6, s14, $0xb8;
	[tilespmem:$0x16400] =	vst v63  }
0x7d: {  	s25 =	sadd.s32 $0x280, s20;
	s8 =	rddreg [dreg:$0x3]  }
0x7e: {  	[tilespmem:s8], [sflag:$0x2] =	stream.indirect.gather [hbm4b:s3+s14], $0x40, s25, s14, $0xb8;
	[tilespmem:$0x16400] =	vst v63  }
0x7f: {  	s9 =	sadd.s32 $0x300, s20;
	s26 =	rddreg [dreg:$0x4]  }
0x80: {  	[tilespmem:s26], [sflag:$0x2] =	stream.indirect.gather [hbm4b:s3+s14], $0x40, s9, s14, $0xb8;
	[tilespmem:$0x16400] =	vst v63  }
0x81: {  	s2 =	sadd.s32 $0x380, s20;
	s13 =	rddreg [dreg:$0x5]  }
0x82: {  	[tilespmem:s13], [sflag:$0x2] =	stream.indirect.gather [hbm4b:s3+s14], $0x40, s2, s14, $0xb8;
	[tilespmem:$0x16400] =	vst v63  }
0x83: {  	_ =	swait.ge [sflag:s22], $0x2000  }
0x84: {  	[sflag:s22] =	ssyncset.done $0x0  }
0x85: {  	[sflag:s22] =	ssyncadd.s32 $0xFFFFE000  }
0x86: {  	_ =	swait.ge [sflag:s22], $0x2000  }
0x87: {  	[sflag:s22] =	ssyncset.done $0x0  }
0x88: {  	[sflag:s22] =	ssyncadd.s32 $0xFFFFE000  }
0x89: {  	s18 =	sand.u32 $0x1FFF800, s17;
	s19 =	sand.u32 $0x400, s16;
	_ =	swait.ge [sflag:s22], $0x2000  }
0x8a: {  	s2 =	sor.u32 s19, s18;
	[sflag:s22] =	ssyncset.done $0x0  }
0x8b: {  	s0 =	sand.u32 $0x40, s0;
	s2 =	sshll.u32 s2, $0x7;
	[sflag:s22] =	ssyncadd.s32 $0xFFFFE000  }
0x8c: {  	s0 =	sor.u32 s0, s2;
	_ =	swait.ge [sflag:s22], $0x2000  }
0x8d: {  	p0 =	seq.s32 s1, $0x18000;
	s0 =	sshrl.u32 s0, $0x3;
	[sflag:s22] =	ssyncset.done $0x0  }
0x8e: {  	s2 =	simm.s32 @!p0 $0x3;
	s0 =	sadd.s32 s4, s0;
	[sflag:s22] =	ssyncadd.s32 $0xFFFFE000  }
0x8f: {  	[hbm4b:s0+s23] =	stream.strided.scatter [tilespmem:s15], [sflag:$0x3], $0x8000, s14, s23, $0x38;
	[tilespmem:$0x16400] =	vst v63  }
0x90: {  	_ =	swait.ge @!p0 [sflag:s2], $0x8000  }
0x91: {  	s5 =	simm.s32 @!p0 $0x80;
	s0 =	sshra.s32 @!p0 s1, $0x2;
	[sflag:s2] =	ssyncset.done @!p0 $0x0  }
0x92: {  	s6 =	simm.s32 @!p0 $0x6400;
	s1 =	sadd.s32 @!p0 $0x400, s0;
	[sflag:s2] =	ssyncadd.s32 @!p0 $0xFFFF8000  }
0x93: {  	[tilespmem:s6], [sflag:$0x1] =	stream.indirect.gather @!p0 [hbm4b:s3+s5], $0x40, s1, s5, $0xb8;
	[tilespmem:$0x16400] =	vst v63  }
0x94: {  	s2 =	simm.s32 @!p0 $0x8400;
	s1 =	sadd.s32 @!p0 $0x480, s0  }
0x95: {  	[tilespmem:s2], [sflag:$0x1] =	stream.indirect.gather @!p0 [hbm4b:s3+s5], $0x40, s1, s5, $0xb8;
	[tilespmem:$0x16400] =	vst v63  }
0x96: {  	s1 =	sadd.s32 @!p0 $0x500, s0;
	s2 =	simm.s32 @!p0 $0xA400  }
0x97: {  	[tilespmem:s2], [sflag:$0x1] =	stream.indirect.gather @!p0 [hbm4b:s3+s5], $0x40, s1, s5, $0xb8;
	[tilespmem:$0x16400] =	vst v63  }
0x98: {  	s0 =	sadd.s32 @!p0 $0x580, s0;
	s1 =	simm.s32 @!p0 $0xC400  }
0x99: {  	[tilespmem:s1], [sflag:$0x1] =	stream.indirect.gather @!p0 [hbm4b:s3+s5], $0x40, s0, s5, $0xb8;
	[tilespmem:$0x16400] =	vst v63  }
0x9a: {  	_ =	swait.ge [sflag:s24], $0x2000  }
0x9b: {  	[sflag:s24] =	ssyncset.done $0x0  }
0x9c: {  	[sflag:s24] =	ssyncadd.s32 $0xFFFFE000  }
0x9d: {  	_ =	swait.ge [sflag:s24], $0x2000  }
0x9e: {  	[sflag:s24] =	ssyncset.done $0x0  }
0x9f: {  	[sflag:s24] =	ssyncadd.s32 $0xFFFFE000  }
0xa0: {  	_ =	swait.ge [sflag:s24], $0x2000  }
0xa1: {  	s20 =	sand.u32 $0x7FFC0000, s29;
	s25 =	sand.u32 $0x30000, s30;
	[sflag:s24] =	ssyncset.done $0x0  }
0xa2: {  	s26 =	sand.u32 $0x40, s31;
	s0 =	sor.u32 s25, s20;
	[sflag:s24] =	ssyncadd.s32 $0xFFFFE000  }
0xa3: {  	s0 =	sor.u32 s26, s0;
	_ =	swait.ge [sflag:s24], $0x2000  }
0xa4: {  	s0 =	sshrl.u32 s0, $0x3;
	[sflag:s24] =	ssyncset.done $0x0  }
0xa5: {  	s29 =	simm.s32 $0x3;
	s0 =	sadd.s32 s4, s0;
	[sflag:s24] =	ssyncadd.s32 $0xFFFFE000  }
0xa6: {  	[hbm4b:s0+s23] =	stream.strided.scatter [tilespmem:s21], [sflag:$0x4], $0x8000, s14, s23, $0x38;
	[tilespmem:$0x16400] =	vst v63  }
0xa7: {  	_ =	swait.ge [sflag:s29], $0x8000  }
0xa8: {  	[sflag:s29] =	ssyncset.done $0x0  }
0xa9: {  	s30 =	simm.s32 $0x4;
	[sflag:s29] =	ssyncadd.s32 $0xFFFF8000  }
0xaa: {  	_ =	swait.ge [sflag:s30], $0x8000  }
0xab: {  	s28 =	sadd.s32 $0x1, s28;
	s31 =	rddreg [dreg:$0x7]  }
0xac: {  	p0 =	sne.s32 s28, s31  }
.Ltmp1:
0xad: {  	_ = 	snop;
	(pc) =	sbr.rel @p0 .LBB2_1-.Ltmp1, $3  }
0xae: {  	_ =	sdelay $0x1  }
0xaf: {  	[sflag:s30] =	ssyncset.done $0x0  }
0xb0: {  	[sflag:s30] =	ssyncadd.s32 $0xFFFF8000  }
0xb1: {  	_ =	sfence.sel $0x180000  }
0xb2: {  	[bflag:$0x0] =	sbarrier.arrive $0xFFFF  }
0xb3: {  	_ =	strace $0x90000047  }
0xb4: {  	s0 =	stileid.u32;
	[bflag:$0x2] =	sbarrier.arrive $0xFFFF  }
0xb5: {  	p0 =	sne.s32 s0, $0x0;
	s0 =	rddreg [dreg:$0x2]  }
0xb6: {  	s0 =	sadd.s32 @!p0 $0x100000, s0  }
0xb7: {  	[sflag:s0] =	ssyncadd.tile.s32 @!p0 $0x1;
	_ =	shalt  }
.Lfunc_end2:
_tile_overlayer_lowered:
.L_overlay_start_2:
0xb8: {  	(tag) =	ssettag $0x2  }
0xb9: {  	s0 =	rddreg [dreg:$0x0];
	s2 =	stileid.u32  }
0xba: {  	s1 =	rddreg [dreg:$0x1];
	p0 =	sne.s32 s2, $0x0  }
0xbb: {  	s3 =	rddreg [dreg:$0x2];
	[bflag:$0x3] =	sbarrier.arrive $0xFFFF;
	s2 =	simm.s32 @!p0 $0x1C05  }
0xbc: {  	[timem:s3], [sflag:s2] =	dma.local @!p0 [hbm:s0], s1  }
0xbd: {  	s0 =	simm.s32 @!p0 $0x5  }
0xbe: {  	_ =	swait.ge @!p0 [sflag:s0], s1  }
0xbf: {  	s1 =	ssub.s32 @!p0 $0x0, s1;
	[sflag:s0] =	ssyncset.done @!p0 $0x0  }
0xc0: {  	[sflag:s0] =	ssyncadd.s32 @!p0 s1  }
0xc1: {  	[bflag:$0x3] =	sbarrier.arrive $0xFFFF  }
0xc2: {  	_ =	shalt  }

</sc_bundles>
